<compile_context>
chip_gen: v7x
topology: tpu7x:2x2x1
jax: 0.10.2.dev20260603
libtpu: 0.0.44.dev20260713+nightly
codegen_flags: <defaults>
</compile_context>

<pallas_src>
import functools

import numpy as np
import jax
import jax.numpy as jnp
from jax.experimental import pallas as pl
from jax.experimental.pallas import tpu as pltpu

_C = 192
_H = 384
_PT = 22
_N = _H * _H
_CB = 8
_SB = 8192


def _interp_weight_mat(h, n_in):
    i = np.arange(h, dtype=np.float64)
    s = (i + 0.5) * (n_in / h) - 0.5
    a = np.arange(n_in, dtype=np.float64)
    w = np.maximum(0.0, 1.0 - np.abs(s[None, :] - a[:, None]))
    w = w / w.sum(axis=0, keepdims=True)
    return w.astype(np.float32)


def _stats_body(x_ref, out_ref):
    i = pl.program_id(0)

    @pl.when(i == 0)
    def _():
        out_ref[...] = jnp.zeros_like(out_ref)

    blk = x_ref[...]
    out_ref[:, 0:1] += jnp.sum(blk, axis=1, keepdims=True)
    out_ref[:, 1:2] += jnp.sum(blk * blk, axis=1, keepdims=True)


def _prep_body(scal_ref, ptm_ref, pts_ref, sums_ref, w_ref, b_ref, out_ref):
    top = scal_ref[0]
    left = scal_ref[1]
    k_pre = scal_ref[2]
    active = scal_ref[3]
    pre_active = scal_ref[4]

    ptm = ptm_ref[...]
    pts = pts_ref[...]
    lane = jax.lax.broadcasted_iota(jnp.int32, ptm.shape, 1)
    cols_m, cols_s = [], []
    for dy in range(3):
        for dx in range(3):
            k = (top + dy) * _PT + (left + dx)
            msk = lane == k
            cols_m.append(jnp.sum(jnp.where(msk, ptm, 0.0), axis=1, keepdims=True))
            cols_s.append(jnp.sum(jnp.where(msk, pts, 0.0), axis=1, keepdims=True))
    wm = jnp.concatenate(cols_m, axis=1)
    ws = jnp.concatenate(cols_s, axis=1)

    s1 = sums_ref[:, 0:1]
    s2 = sums_ref[:, 1:2]
    n = jnp.float32(_N)
    pm = s1 / n
    pv = (s2 - s1 * s1 / n) / (n - 1.0)
    ps = jnp.sqrt(pv)

    lane9 = jax.lax.broadcasted_iota(jnp.int32, (_C, 9), 1)
    upd = lane9 == k_pre
    wm = jnp.where(upd, pm, wm)
    ws = jnp.where(upd, ps, ws)
    cm = wm[:, 4:5]
    cs = ws[:, 4:5]
    wm = jnp.where(wm == 0.0, cm, wm)
    ws = jnp.where(ws == 0.0, cs, ws)

    w = w_ref[...]
    b = b_ref[...]
    act = active != 0
    wm = jnp.where(act, wm, 0.0)
    ws = jnp.where(act, ws, 1.0)
    wr = jnp.where(act, w, 1.0)
    br = jnp.where(act, b, 0.0)

    pact = pre_active != 0
    a_pre = jnp.where(pact, w / ps, 1.0)
    b_pre = jnp.where(pact, b - pm * (w / ps), 0.0)

    pad = jnp.zeros((_C, 32 - 22), jnp.float32)
    out_ref[...] = jnp.concatenate(
        [wm, ws, a_pre, b_pre, wr, br, pad], axis=1)


def _norm_body(st_ref, x_ref, wy_ref, wx_ref, o_ref):
    h = pl.program_id(0)

    @pl.when(h == 0)
    def _real():
        xb = x_ref[...]
        mean = None
        std = None
        for a in range(3):
            row_m = None
            row_s = None
            for bb in range(3):
                wx = wx_ref[bb:bb + 1, :].reshape(1, 1, 1, _H)
                m = st_ref[:, 3 * a + bb:3 * a + bb + 1].reshape(1, _CB, 1, 1)
                s = st_ref[:, 9 + 3 * a + bb:10 + 3 * a + bb].reshape(1, _CB, 1, 1)
                row_m = m * wx if row_m is None else row_m + m * wx
                row_s = s * wx if row_s is None else row_s + s * wx
            wy = wy_ref[:, a:a + 1].reshape(1, 1, _H, 1)
            mean = wy * row_m if mean is None else mean + wy * row_m
            std = wy * row_s if std is None else std + wy * row_s
        wr = st_ref[:, 20:21].reshape(1, _CB, 1, 1)
        br = st_ref[:, 21:22].reshape(1, _CB, 1, 1)
        o_ref[...] = (xb - mean) / std * wr + br

    @pl.when(h == 1)
    def _pre():
        xb = x_ref[...]
        a_pre = st_ref[:, 18:19].reshape(1, _CB, 1, 1)
        b_pre = st_ref[:, 19:20].reshape(1, _CB, 1, 1)
        o_ref[...] = xb * a_pre + b_pre


def kernel(x, weight, bias, mean_table, std_table, padded_mean_table,
           padded_std_table, y_anchor, x_anchor, padding, pre_y_anchor,
           pre_x_anchor):
    pre_flat = x[1].reshape(_C, _N)

    sums = pl.pallas_call(
        _stats_body,
        grid=(_N // _SB,),
        in_specs=[pl.BlockSpec((_C, _SB), lambda i: (0, i))],
        out_specs=pl.BlockSpec((_C, 8), lambda i: (0, 0)),
        out_shape=jax.ShapeDtypeStruct((_C, 8), jnp.float32),
    )(pre_flat)

    pad_static = (padded_mean_table.shape[2] - mean_table.shape[0]) // 2
    top = y_anchor + padding - pad_static
    left = x_anchor + padding - pad_static
    ry = pre_y_anchor + 1 - top
    rx = pre_x_anchor + 1 - left
    in_win = ((pre_y_anchor != -1) & (ry >= 0) & (ry < 3)
              & (rx >= 0) & (rx < 3))
    k_pre = jnp.where(in_win, ry * 3 + rx, 100)
    scal = jnp.stack([
        jnp.asarray(top), jnp.asarray(left), k_pre,
        jnp.asarray(y_anchor != -1), jnp.asarray(pre_y_anchor != -1),
    ]).astype(jnp.int32)

    ptm = padded_mean_table[0].reshape(_C, _PT * _PT)
    pts = padded_std_table[0].reshape(_C, _PT * _PT)
    wvec = weight.reshape(_C, 1)
    bvec = bias.reshape(_C, 1)

    stat = pl.pallas_call(
        _prep_body,
        grid_spec=pltpu.PrefetchScalarGridSpec(
            num_scalar_prefetch=1,
            grid=(1,),
            in_specs=[
                pl.BlockSpec((_C, _PT * _PT), lambda i, s: (0, 0)),
                pl.BlockSpec((_C, _PT * _PT), lambda i, s: (0, 0)),
                pl.BlockSpec((_C, 8), lambda i, s: (0, 0)),
                pl.BlockSpec((_C, 1), lambda i, s: (0, 0)),
                pl.BlockSpec((_C, 1), lambda i, s: (0, 0)),
            ],
            out_specs=pl.BlockSpec((_C, 32), lambda i, s: (0, 0)),
        ),
        out_shape=jax.ShapeDtypeStruct((_C, 32), jnp.float32),
    )(scal, ptm, pts, sums, wvec, bvec)

    wy = jnp.asarray(_interp_weight_mat(_H, 3).T)
    wx = jnp.asarray(_interp_weight_mat(_H, 3))

    out = pl.pallas_call(
        _norm_body,
        grid=(2, _C // _CB),
        in_specs=[
            pl.BlockSpec((_CB, 32), lambda h, c: (c, 0)),
            pl.BlockSpec((1, _CB, _H, _H), lambda h, c: (h, c, 0, 0)),
            pl.BlockSpec((_H, 3), lambda h, c: (0, 0)),
            pl.BlockSpec((3, _H), lambda h, c: (0, 0)),
        ],
        out_specs=pl.BlockSpec((1, _CB, _H, _H), lambda h, c: (h, c, 0, 0)),
        out_shape=jax.ShapeDtypeStruct((2, _C, _H, _H), jnp.float32),
    )(stat, x, wy, wx)

    return out

# --- scband reference (transcript-rebuilt; emitter-appended) ---
"""Pipeline reference for scband-prefetch-dense-instance-norm-61804579389968 (READ-ONLY COPY).

The authoritative reference and input builder live on the scoring server;
editing this copy changes nothing except your own understanding.
"""

import jax, jax.numpy as jnp
import numpy as np

C = 192
H = 384
Y_ANCHORS = 20
X_ANCHORS = 20


def _replication_pad(table):
    # table: [1, C, Y, X] -> [1, C, Y+2, X+2], ReplicationPad2d((1,1,1,1))
    return jnp.pad(table, ((0, 0), (0, 0), (1, 1), (1, 1)), mode='edge')


def _interp3(table, h):
    # Interpolation3D: bilinear upsample of a [C, 3, 3] anchor-stat grid to [C, h, h]
    return jax.image.resize(table, (table.shape[0], h, h), method='linear')


def setup_inputs(seed: int = 0):
    key = jax.random.key(seed)
    k1, k2, k3 = jax.random.split(key, 3)
    x = jax.random.normal(k1, (2, C, H, H), dtype=jnp.float32)
    # tables normally filled by init_collection + prior prefetch passes; use nonzero stats
    mean_table = 0.1 * jax.random.normal(k2, (Y_ANCHORS, X_ANCHORS, C), dtype=jnp.float32)
    std_table = jax.random.uniform(k3, (Y_ANCHORS, X_ANCHORS, C), dtype=jnp.float32, minval=0.5, maxval=1.5)
    padded_mean_table = _replication_pad(jnp.transpose(mean_table, (2, 0, 1))[None])
    padded_std_table = _replication_pad(jnp.transpose(std_table, (2, 0, 1))[None])
    weight = jnp.ones((1, C, 1, 1), dtype=jnp.float32)
    bias = jnp.zeros((1, C, 1, 1), dtype=jnp.float32)
    return {'x': x, 'weight': weight, 'bias': bias, 'mean_table': mean_table, 'std_table': std_table, 'padded_mean_table': padded_mean_table, 'padded_std_table': padded_std_table, 'y_anchor': 5, 'x_anchor': 7, 'padding': 1, 'pre_y_anchor': 5, 'pre_x_anchor': 7}


def reference(x, weight, bias, mean_table, std_table, padded_mean_table, padded_std_table, y_anchor, x_anchor, padding, pre_y_anchor, pre_x_anchor):
    real_x, pre_x = jnp.split(x, 2, axis=0)
    h = pre_x.shape[2]
    pre_active = pre_y_anchor != -1
    pre_x_mean = jnp.mean(pre_x, axis=(2, 3))              # [1, C]
    pre_x_std = jnp.std(pre_x, axis=(2, 3), ddof=1)        # unbiased, matches torch.std_mean
    mean_table = jnp.where(pre_active, mean_table.at[pre_y_anchor, pre_x_anchor].set(pre_x_mean[0]), mean_table)
    std_table = jnp.where(pre_active, std_table.at[pre_y_anchor, pre_x_anchor].set(pre_x_std[0]), std_table)
    padded_mean_table = jnp.where(pre_active, padded_mean_table.at[:, :, pre_y_anchor + 1, pre_x_anchor + 1].set(pre_x_mean[0]), padded_mean_table)
    padded_std_table = jnp.where(pre_active, padded_std_table.at[:, :, pre_y_anchor + 1, pre_x_anchor + 1].set(pre_x_std[0]), padded_std_table)
    pre_x = jnp.where(pre_active, (pre_x - pre_x_mean[:, :, None, None]) / pre_x_std[:, :, None, None] * weight + bias, pre_x)
    active = y_anchor != -1
    pad_static = (padded_mean_table.shape[2] - mean_table.shape[0]) // 2
    win = 2 * pad_static + 1
    top = y_anchor + padding - pad_static
    left = x_anchor + padding - pad_static
    x_mean = jax.lax.dynamic_slice(padded_mean_table[0], (0, top, left), (padded_mean_table.shape[1], win, win))  # [C, 3, 3]
    x_std = jax.lax.dynamic_slice(padded_std_table[0], (0, top, left), (padded_std_table.shape[1], win, win))
    x_mean_expand = jnp.broadcast_to(x_mean[:, 1, 1][:, None, None], (x_mean.shape[0], 3, 3))
    x_std_expand = jnp.broadcast_to(x_std[:, 1, 1][:, None, None], (x_std.shape[0], 3, 3))
    x_mean = jnp.where(x_mean == 0, x_mean_expand, x_mean)
    x_std = jnp.where(x_std == 0, x_std_expand, x_std)
    mean_map = _interp3(x_mean, h)[None]                    # [1, C, h, h]
    inv_std_map = (1.0 / _interp3(x_std, h))[None]          # interpolation_std_table_inverse
    real_x = jnp.where(active, (real_x - mean_map) * inv_std_map * weight + bias, real_x)
    return jnp.concatenate((real_x, pre_x), axis=0)

if __name__ == "__main__":
    import jax
    _d = setup_inputs()
    print(jax.jit(kernel)(*tuple(_d.values())))

</pallas_src>

<mosaic_0001>
module attributes {stable_mosaic.version = 14 : i64} {
  func.func @_stats_body(%arg0: i32, %arg1: memref<192x8192xf32, #tpu.memory_space<vmem>>, %arg2: memref<192x8xf32, #tpu.memory_space<vmem>>) attributes {dimension_semantics = [#tpu.dimension_semantics<arbitrary>], iteration_bounds = array<i64: 18>, scalar_prefetch = 0 : i64, scratch_operands = 0 : i64, tpu.core_type = #tpu.core_type<tc>, window_params = [{transform_indices = @transform_0, window_bounds = array<i64: 192, 8192>}, {pipeline_mode = #tpu.pipeline_mode<synchronous>, transform_indices = @transform_1, window_bounds = array<i64: 192, 8>}]} {
    %eq3A = arith.constant 0 : i32
    %eq3A_0 = arith.cmpi eq, %arg0, %eq3A : i32
    %convert_element_type3A = arith.extui %eq3A_0 : i1 to i32
    %cond3A = arith.constant 0 : i32
    %cond3A_1 = arith.cmpi ne, %convert_element_type3A, %cond3A : i32
    scf.if %cond3A_1 {
      %broadcast_in_dim3A_20 = arith.constant 0.000000e+00 : f32
      %broadcast_in_dim3A_21 = vector.broadcast %broadcast_in_dim3A_20 : f32 to vector<192x8xf32>
      %swap3A_22 = arith.constant 0 : index
      %swap3A_23 = arith.constant 0 : index
      %swap3A_24 = vector.load %arg2[%swap3A_22, %swap3A_23] : memref<192x8xf32, #tpu.memory_space<vmem>>, vector<192x8xf32>
      tpu.vector_store %arg2[%swap3A_22, %swap3A_23], %broadcast_in_dim3A_21 {strides = array<i32>} : memref<192x8xf32, #tpu.memory_space<vmem>>, vector<192x8xf32>,
    } else {
    }
    %get3A = arith.constant 0 : index
    %get3A_2 = arith.constant 0 : index
    %get3A_3 = vector.load %arg1[%get3A, %get3A_2] : memref<192x8192xf32, #tpu.memory_space<vmem>>, vector<192x8192xf32>
    %get3A_4 = arith.constant 0 : index
    %get3A_5 = arith.constant 0 : index
    %get3A_6 = vector.load %arg2[%get3A_4, %get3A_5] : memref<192x8xf32, #tpu.memory_space<vmem>>, vector<192x1xf32>
    %reduce_sum3A = arith.constant dense<0.000000e+00> : vector<192xf32>
    %reduce_sum3A_7 = vector.multi_reduction <add>, %get3A_3, %reduce_sum3A [1] : vector<192x8192xf32> to vector<192xf32>
    %broadcast_in_dim3A = vector.shape_cast %reduce_sum3A_7 : vector<192xf32> to vector<192x1xf32>
    %add3A = arith.addf %get3A_6, %broadcast_in_dim3A : vector<192x1xf32>
    %swap3A = arith.constant 0 : index
    %swap3A_8 = arith.constant 0 : index
    %swap3A_9 = vector.load %arg2[%swap3A, %swap3A_8] : memref<192x8xf32, #tpu.memory_space<vmem>>, vector<192x1xf32>
    tpu.vector_store %arg2[%swap3A, %swap3A_8], %add3A {strides = array<i32>} : memref<192x8xf32, #tpu.memory_space<vmem>>, vector<192x1xf32>,
    %get3A_10 = arith.constant 0 : index
    %get3A_11 = arith.constant 1 : index
    %get3A_12 = vector.load %arg2[%get3A_10, %get3A_11] : memref<192x8xf32, #tpu.memory_space<vmem>>, vector<192x1xf32>
    %mul3A = arith.mulf %get3A_3, %get3A_3 : vector<192x8192xf32>
    %reduce_sum3A_13 = arith.constant dense<0.000000e+00> : vector<192xf32>
    %reduce_sum3A_14 = vector.multi_reduction <add>, %mul3A, %reduce_sum3A_13 [1] : vector<192x8192xf32> to vector<192xf32>
    %broadcast_in_dim3A_15 = vector.shape_cast %reduce_sum3A_14 : vector<192xf32> to vector<192x1xf32>
    %add3A_16 = arith.addf %get3A_12, %broadcast_in_dim3A_15 : vector<192x1xf32>
    %swap3A_17 = arith.constant 0 : index
    %swap3A_18 = arith.constant 1 : index
    %swap3A_19 = vector.load %arg2[%swap3A_17, %swap3A_18] : memref<192x8xf32, #tpu.memory_space<vmem>>, vector<192x1xf32>
    tpu.vector_store %arg2[%swap3A_17, %swap3A_18], %add3A_16 {strides = array<i32>} : memref<192x8xf32, #tpu.memory_space<vmem>>, vector<192x1xf32>,
    return
  }
  func.func @transform_0(%arg0: i32) -> (i32, i32) {
    %c0_i32 = arith.constant 0 : i32
    %c0_i32_0 = arith.constant 0 : i32
    return %c0_i32, %arg0 : i32, i32
  }
  func.func @transform_1(%arg0: i32) -> (i32, i32) {
    %c0_i32 = arith.constant 0 : i32
    %c0_i32_0 = arith.constant 0 : i32
    %c0_i32_1 = arith.constant 0 : i32
    return %c0_i32, %c0_i32_0 : i32, i32
  }
}

module attributes {stable_mosaic.version = 14 : i64} {
  func.func @_prep_body(%arg0: i32, %arg1: memref<5xi32, #tpu.memory_space<smem>>, %arg2: memref<192x484xf32, #tpu.memory_space<vmem>>, %arg3: memref<192x484xf32, #tpu.memory_space<vmem>>, %arg4: memref<192x8xf32, #tpu.memory_space<vmem>>, %arg5: memref<192x1xf32, #tpu.memory_space<vmem>>, %arg6: memref<192x1xf32, #tpu.memory_space<vmem>>, %arg7: memref<192x32xf32, #tpu.memory_space<vmem>>) attributes {dimension_semantics = [#tpu.dimension_semantics<arbitrary>], iteration_bounds = array<i64: 1>, scalar_prefetch = 1 : i64, scratch_operands = 0 : i64, tpu.core_type = #tpu.core_type<tc>, window_params = [{pipeline_mode = #tpu.pipeline_mode<synchronous>, transform_indices = @transform_0, window_bounds = array<i64: 192, 484>}, {pipeline_mode = #tpu.pipeline_mode<synchronous>, transform_indices = @transform_1, window_bounds = array<i64: 192, 484>}, {pipeline_mode = #tpu.pipeline_mode<synchronous>, transform_indices = @transform_2, window_bounds = array<i64: 192, 8>}, {pipeline_mode = #tpu.pipeline_mode<synchronous>, transform_indices = @transform_3, window_bounds = array<i64: 192, 1>}, {pipeline_mode = #tpu.pipeline_mode<synchronous>, transform_indices = @transform_4, window_bounds = array<i64: 192, 1>}, {pipeline_mode = #tpu.pipeline_mode<synchronous>, transform_indices = @transform_5, window_bounds = array<i64: 192, 32>}]} {
    %get3A = arith.constant 0 : index
    %get3A_0 = memref.load %arg1[%get3A] : memref<5xi32, #tpu.memory_space<smem>>
    %get3A_1 = arith.constant 1 : index
    %get3A_2 = memref.load %arg1[%get3A_1] : memref<5xi32, #tpu.memory_space<smem>>
    %get3A_3 = arith.constant 2 : index
    %get3A_4 = memref.load %arg1[%get3A_3] : memref<5xi32, #tpu.memory_space<smem>>
    %get3A_5 = arith.constant 3 : index
    %get3A_6 = memref.load %arg1[%get3A_5] : memref<5xi32, #tpu.memory_space<smem>>
    %get3A_7 = arith.constant 4 : index
    %get3A_8 = memref.load %arg1[%get3A_7] : memref<5xi32, #tpu.memory_space<smem>>
    %get3A_9 = arith.constant 0 : index
    %get3A_10 = arith.constant 0 : index
    %get3A_11 = vector.load %arg2[%get3A_9, %get3A_10] : memref<192x484xf32, #tpu.memory_space<vmem>>, vector<192x484xf32>
    %get3A_12 = arith.constant 0 : index
    %get3A_13 = arith.constant 0 : index
    %get3A_14 = vector.load %arg3[%get3A_12, %get3A_13] : memref<192x484xf32, #tpu.memory_space<vmem>>, vector<192x484xf32>
    %iota3A = tpu.iota {dimensions = array<i32: 1>} : vector<192x484xi32>
    %add3A = arith.constant 0 : i32
    %add3A_15 = arith.addi %get3A_0, %add3A : i32
    %mul3A = arith.constant 22 : i32
    %mul3A_16 = arith.muli %add3A_15, %mul3A : i32
    %add3A_17 = arith.constant 0 : i32
    %add3A_18 = arith.addi %get3A_2, %add3A_17 : i32
    %add3A_19 = arith.addi %mul3A_16, %add3A_18 : i32
    %eq3A = vector.broadcast %add3A_19 : i32 to vector<192x484xi32>
    %eq3A_20 = arith.cmpi eq, %iota3A, %eq3A : vector<192x484xi32>
    %jit3A = arith.constant 0.000000e+00 : f32
    %broadcast_in_dim3A = vector.broadcast %jit3A : f32 to vector<192x484xf32>
    %select_n3A = arith.select %eq3A_20, %get3A_11, %broadcast_in_dim3A : vector<192x484xi1>, vector<192x484xf32>
    %reduce_sum3A = arith.constant dense<0.000000e+00> : vector<192xf32>
    %reduce_sum3A_21 = vector.multi_reduction <add>, %select_n3A, %reduce_sum3A [1] : vector<192x484xf32> to vector<192xf32>
    %broadcast_in_dim3A_22 = vector.shape_cast %reduce_sum3A_21 : vector<192xf32> to vector<192x1xf32>
    %jit3A_23 = arith.constant 0.000000e+00 : f32
    %broadcast_in_dim3A_24 = vector.broadcast %jit3A_23 : f32 to vector<192x484xf32>
    %select_n3A_25 = arith.select %eq3A_20, %get3A_14, %broadcast_in_dim3A_24 : vector<192x484xi1>, vector<192x484xf32>
    %reduce_sum3A_26 = arith.constant dense<0.000000e+00> : vector<192xf32>
    %reduce_sum3A_27 = vector.multi_reduction <add>, %select_n3A_25, %reduce_sum3A_26 [1] : vector<192x484xf32> to vector<192xf32>
    %broadcast_in_dim3A_28 = vector.shape_cast %reduce_sum3A_27 : vector<192xf32> to vector<192x1xf32>
    %add3A_29 = arith.constant 0 : i32
    %add3A_30 = arith.addi %get3A_0, %add3A_29 : i32
    %mul3A_31 = arith.constant 22 : i32
    %mul3A_32 = arith.muli %add3A_30, %mul3A_31 : i32
    %add3A_33 = arith.constant 1 : i32
    %add3A_34 = arith.addi %get3A_2, %add3A_33 : i32
    %add3A_35 = arith.addi %mul3A_32, %add3A_34 : i32
    %eq3A_36 = vector.broadcast %add3A_35 : i32 to vector<192x484xi32>
    %eq3A_37 = arith.cmpi eq, %iota3A, %eq3A_36 : vector<192x484xi32>
    %jit3A_38 = arith.constant 0.000000e+00 : f32
    %broadcast_in_dim3A_39 = vector.broadcast %jit3A_38 : f32 to vector<192x484xf32>
    %select_n3A_40 = arith.select %eq3A_37, %get3A_11, %broadcast_in_dim3A_39 : vector<192x484xi1>, vector<192x484xf32>
    %reduce_sum3A_41 = arith.constant dense<0.000000e+00> : vector<192xf32>
    %reduce_sum3A_42 = vector.multi_reduction <add>, %select_n3A_40, %reduce_sum3A_41 [1] : vector<192x484xf32> to vector<192xf32>
    %broadcast_in_dim3A_43 = vector.shape_cast %reduce_sum3A_42 : vector<192xf32> to vector<192x1xf32>
    %jit3A_44 = arith.constant 0.000000e+00 : f32
    %broadcast_in_dim3A_45 = vector.broadcast %jit3A_44 : f32 to vector<192x484xf32>
    %select_n3A_46 = arith.select %eq3A_37, %get3A_14, %broadcast_in_dim3A_45 : vector<192x484xi1>, vector<192x484xf32>
    %reduce_sum3A_47 = arith.constant dense<0.000000e+00> : vector<192xf32>
    %reduce_sum3A_48 = vector.multi_reduction <add>, %select_n3A_46, %reduce_sum3A_47 [1] : vector<192x484xf32> to vector<192xf32>
    %broadcast_in_dim3A_49 = vector.shape_cast %reduce_sum3A_48 : vector<192xf32> to vector<192x1xf32>
    %add3A_50 = arith.constant 0 : i32
    %add3A_51 = arith.addi %get3A_0, %add3A_50 : i32
    %mul3A_52 = arith.constant 22 : i32
    %mul3A_53 = arith.muli %add3A_51, %mul3A_52 : i32
    %add3A_54 = arith.constant 2 : i32
    %add3A_55 = arith.addi %get3A_2, %add3A_54 : i32
    %add3A_56 = arith.addi %mul3A_53, %add3A_55 : i32
    %eq3A_57 = vector.broadcast %add3A_56 : i32 to vector<192x484xi32>
    %eq3A_58 = arith.cmpi eq, %iota3A, %eq3A_57 : vector<192x484xi32>
    %jit3A_59 = arith.constant 0.000000e+00 : f32
    %broadcast_in_dim3A_60 = vector.broadcast %jit3A_59 : f32 to vector<192x484xf32>
    %select_n3A_61 = arith.select %eq3A_58, %get3A_11, %broadcast_in_dim3A_60 : vector<192x484xi1>, vector<192x484xf32>
    %reduce_sum3A_62 = arith.constant dense<0.000000e+00> : vector<192xf32>
    %reduce_sum3A_63 = vector.multi_reduction <add>, %select_n3A_61, %reduce_sum3A_62 [1] : vector<192x484xf32> to vector<192xf32>
    %broadcast_in_dim3A_64 = vector.shape_cast %reduce_sum3A_63 : vector<192xf32> to vector<192x1xf32>
    %jit3A_65 = arith.constant 0.000000e+00 : f32
    %broadcast_in_dim3A_66 = vector.broadcast %jit3A_65 : f32 to vector<192x484xf32>
    %select_n3A_67 = arith.select %eq3A_58, %get3A_14, %broadcast_in_dim3A_66 : vector<192x484xi1>, vector<192x484xf32>
    %reduce_sum3A_68 = arith.constant dense<0.000000e+00> : vector<192xf32>
    %reduce_sum3A_69 = vector.multi_reduction <add>, %select_n3A_67, %reduce_sum3A_68 [1] : vector<192x484xf32> to vector<192xf32>
    %broadcast_in_dim3A_70 = vector.shape_cast %reduce_sum3A_69 : vector<192xf32> to vector<192x1xf32>
    %add3A_71 = arith.constant 1 : i32
    %add3A_72 = arith.addi %get3A_0, %add3A_71 : i32
    %mul3A_73 = arith.constant 22 : i32
    %mul3A_74 = arith.muli %add3A_72, %mul3A_73 : i32
    %add3A_75 = arith.constant 0 : i32
    %add3A_76 = arith.addi %get3A_2, %add3A_75 : i32
    %add3A_77 = arith.addi %mul3A_74, %add3A_76 : i32
    %eq3A_78 = vector.broadcast %add3A_77 : i32 to vector<192x484xi32>
    %eq3A_79 = arith.cmpi eq, %iota3A, %eq3A_78 : vector<192x484xi32>
    %jit3A_80 = arith.constant 0.000000e+00 : f32
    %broadcast_in_dim3A_81 = vector.broadcast %jit3A_80 : f32 to vector<192x484xf32>
    %select_n3A_82 = arith.select %eq3A_79, %get3A_11, %broadcast_in_dim3A_81 : vector<192x484xi1>, vector<192x484xf32>
    %reduce_sum3A_83 = arith.constant dense<0.000000e+00> : vector<192xf32>
    %reduce_sum3A_84 = vector.multi_reduction <add>, %select_n3A_82, %reduce_sum3A_83 [1] : vector<192x484xf32> to vector<192xf32>
    %broadcast_in_dim3A_85 = vector.shape_cast %reduce_sum3A_84 : vector<192xf32> to vector<192x1xf32>
    %jit3A_86 = arith.constant 0.000000e+00 : f32
    %broadcast_in_dim3A_87 = vector.broadcast %jit3A_86 : f32 to vector<192x484xf32>
    %select_n3A_88 = arith.select %eq3A_79, %get3A_14, %broadcast_in_dim3A_87 : vector<192x484xi1>, vector<192x484xf32>
    %reduce_sum3A_89 = arith.constant dense<0.000000e+00> : vector<192xf32>
    %reduce_sum3A_90 = vector.multi_reduction <add>, %select_n3A_88, %reduce_sum3A_89 [1] : vector<192x484xf32> to vector<192xf32>
    %broadcast_in_dim3A_91 = vector.shape_cast %reduce_sum3A_90 : vector<192xf32> to vector<192x1xf32>
    %add3A_92 = arith.constant 1 : i32
    %add3A_93 = arith.addi %get3A_0, %add3A_92 : i32
    %mul3A_94 = arith.constant 22 : i32
    %mul3A_95 = arith.muli %add3A_93, %mul3A_94 : i32
    %add3A_96 = arith.constant 1 : i32
    %add3A_97 = arith.addi %get3A_2, %add3A_96 : i32
    %add3A_98 = arith.addi %mul3A_95, %add3A_97 : i32
    %eq3A_99 = vector.broadcast %add3A_98 : i32 to vector<192x484xi32>
    %eq3A_100 = arith.cmpi eq, %iota3A, %eq3A_99 : vector<192x484xi32>
    %jit3A_101 = arith.constant 0.000000e+00 : f32
    %broadcast_in_dim3A_102 = vector.broadcast %jit3A_101 : f32 to vector<192x484xf32>
    %select_n3A_103 = arith.select %eq3A_100, %get3A_11, %broadcast_in_dim3A_102 : vector<192x484xi1>, vector<192x484xf32>
    %reduce_sum3A_104 = arith.constant dense<0.000000e+00> : vector<192xf32>
    %reduce_sum3A_105 = vector.multi_reduction <add>, %select_n3A_103, %reduce_sum3A_104 [1] : vector<192x484xf32> to vector<192xf32>
    %broadcast_in_dim3A_106 = vector.shape_cast %reduce_sum3A_105 : vector<192xf32> to vector<192x1xf32>
    %jit3A_107 = arith.constant 0.000000e+00 : f32
    %broadcast_in_dim3A_108 = vector.broadcast %jit3A_107 : f32 to vector<192x484xf32>
    %select_n3A_109 = arith.select %eq3A_100, %get3A_14, %broadcast_in_dim3A_108 : vector<192x484xi1>, vector<192x484xf32>
    %reduce_sum3A_110 = arith.constant dense<0.000000e+00> : vector<192xf32>
    %reduce_sum3A_111 = vector.multi_reduction <add>, %select_n3A_109, %reduce_sum3A_110 [1] : vector<192x484xf32> to vector<192xf32>
    %broadcast_in_dim3A_112 = vector.shape_cast %reduce_sum3A_111 : vector<192xf32> to vector<192x1xf32>
    %add3A_113 = arith.constant 1 : i32
    %add3A_114 = arith.addi %get3A_0, %add3A_113 : i32
    %mul3A_115 = arith.constant 22 : i32
    %mul3A_116 = arith.muli %add3A_114, %mul3A_115 : i32
    %add3A_117 = arith.constant 2 : i32
    %add3A_118 = arith.addi %get3A_2, %add3A_117 : i32
    %add3A_119 = arith.addi %mul3A_116, %add3A_118 : i32
    %eq3A_120 = vector.broadcast %add3A_119 : i32 to vector<192x484xi32>
    %eq3A_121 = arith.cmpi eq, %iota3A, %eq3A_120 : vector<192x484xi32>
    %jit3A_122 = arith.constant 0.000000e+00 : f32
    %broadcast_in_dim3A_123 = vector.broadcast %jit3A_122 : f32 to vector<192x484xf32>
    %select_n3A_124 = arith.select %eq3A_121, %get3A_11, %broadcast_in_dim3A_123 : vector<192x484xi1>, vector<192x484xf32>
    %reduce_sum3A_125 = arith.constant dense<0.000000e+00> : vector<192xf32>
    %reduce_sum3A_126 = vector.multi_reduction <add>, %select_n3A_124, %reduce_sum3A_125 [1] : vector<192x484xf32> to vector<192xf32>
    %broadcast_in_dim3A_127 = vector.shape_cast %reduce_sum3A_126 : vector<192xf32> to vector<192x1xf32>
    %jit3A_128 = arith.constant 0.000000e+00 : f32
    %broadcast_in_dim3A_129 = vector.broadcast %jit3A_128 : f32 to vector<192x484xf32>
    %select_n3A_130 = arith.select %eq3A_121, %get3A_14, %broadcast_in_dim3A_129 : vector<192x484xi1>, vector<192x484xf32>
    %reduce_sum3A_131 = arith.constant dense<0.000000e+00> : vector<192xf32>
    %reduce_sum3A_132 = vector.multi_reduction <add>, %select_n3A_130, %reduce_sum3A_131 [1] : vector<192x484xf32> to vector<192xf32>
    %broadcast_in_dim3A_133 = vector.shape_cast %reduce_sum3A_132 : vector<192xf32> to vector<192x1xf32>
    %add3A_134 = arith.constant 2 : i32
    %add3A_135 = arith.addi %get3A_0, %add3A_134 : i32
    %mul3A_136 = arith.constant 22 : i32
    %mul3A_137 = arith.muli %add3A_135, %mul3A_136 : i32
    %add3A_138 = arith.constant 0 : i32
    %add3A_139 = arith.addi %get3A_2, %add3A_138 : i32
    %add3A_140 = arith.addi %mul3A_137, %add3A_139 : i32
    %eq3A_141 = vector.broadcast %add3A_140 : i32 to vector<192x484xi32>
    %eq3A_142 = arith.cmpi eq, %iota3A, %eq3A_141 : vector<192x484xi32>
    %jit3A_143 = arith.constant 0.000000e+00 : f32
    %broadcast_in_dim3A_144 = vector.broadcast %jit3A_143 : f32 to vector<192x484xf32>
    %select_n3A_145 = arith.select %eq3A_142, %get3A_11, %broadcast_in_dim3A_144 : vector<192x484xi1>, vector<192x484xf32>
    %reduce_sum3A_146 = arith.constant dense<0.000000e+00> : vector<192xf32>
    %reduce_sum3A_147 = vector.multi_reduction <add>, %select_n3A_145, %reduce_sum3A_146 [1] : vector<192x484xf32> to vector<192xf32>
    %broadcast_in_dim3A_148 = vector.shape_cast %reduce_sum3A_147 : vector<192xf32> to vector<192x1xf32>
    %jit3A_149 = arith.constant 0.000000e+00 : f32
    %broadcast_in_dim3A_150 = vector.broadcast %jit3A_149 : f32 to vector<192x484xf32>
    %select_n3A_151 = arith.select %eq3A_142, %get3A_14, %broadcast_in_dim3A_150 : vector<192x484xi1>, vector<192x484xf32>
    %reduce_sum3A_152 = arith.constant dense<0.000000e+00> : vector<192xf32>
    %reduce_sum3A_153 = vector.multi_reduction <add>, %select_n3A_151, %reduce_sum3A_152 [1] : vector<192x484xf32> to vector<192xf32>
    %broadcast_in_dim3A_154 = vector.shape_cast %reduce_sum3A_153 : vector<192xf32> to vector<192x1xf32>
    %add3A_155 = arith.constant 2 : i32
    %add3A_156 = arith.addi %get3A_0, %add3A_155 : i32
    %mul3A_157 = arith.constant 22 : i32
    %mul3A_158 = arith.muli %add3A_156, %mul3A_157 : i32
    %add3A_159 = arith.constant 1 : i32
    %add3A_160 = arith.addi %get3A_2, %add3A_159 : i32
    %add3A_161 = arith.addi %mul3A_158, %add3A_160 : i32
    %eq3A_162 = vector.broadcast %add3A_161 : i32 to vector<192x484xi32>
    %eq3A_163 = arith.cmpi eq, %iota3A, %eq3A_162 : vector<192x484xi32>
    %jit3A_164 = arith.constant 0.000000e+00 : f32
    %broadcast_in_dim3A_165 = vector.broadcast %jit3A_164 : f32 to vector<192x484xf32>
    %select_n3A_166 = arith.select %eq3A_163, %get3A_11, %broadcast_in_dim3A_165 : vector<192x484xi1>, vector<192x484xf32>
    %reduce_sum3A_167 = arith.constant dense<0.000000e+00> : vector<192xf32>
    %reduce_sum3A_168 = vector.multi_reduction <add>, %select_n3A_166, %reduce_sum3A_167 [1] : vector<192x484xf32> to vector<192xf32>
    %broadcast_in_dim3A_169 = vector.shape_cast %reduce_sum3A_168 : vector<192xf32> to vector<192x1xf32>
    %jit3A_170 = arith.constant 0.000000e+00 : f32
    %broadcast_in_dim3A_171 = vector.broadcast %jit3A_170 : f32 to vector<192x484xf32>
    %select_n3A_172 = arith.select %eq3A_163, %get3A_14, %broadcast_in_dim3A_171 : vector<192x484xi1>, vector<192x484xf32>
    %reduce_sum3A_173 = arith.constant dense<0.000000e+00> : vector<192xf32>
    %reduce_sum3A_174 = vector.multi_reduction <add>, %select_n3A_172, %reduce_sum3A_173 [1] : vector<192x484xf32> to vector<192xf32>
    %broadcast_in_dim3A_175 = vector.shape_cast %reduce_sum3A_174 : vector<192xf32> to vector<192x1xf32>
    %add3A_176 = arith.constant 2 : i32
    %add3A_177 = arith.addi %get3A_0, %add3A_176 : i32
    %mul3A_178 = arith.constant 22 : i32
    %mul3A_179 = arith.muli %add3A_177, %mul3A_178 : i32
    %add3A_180 = arith.constant 2 : i32
    %add3A_181 = arith.addi %get3A_2, %add3A_180 : i32
    %add3A_182 = arith.addi %mul3A_179, %add3A_181 : i32
    %eq3A_183 = vector.broadcast %add3A_182 : i32 to vector<192x484xi32>
    %eq3A_184 = arith.cmpi eq, %iota3A, %eq3A_183 : vector<192x484xi32>
    %jit3A_185 = arith.constant 0.000000e+00 : f32
    %broadcast_in_dim3A_186 = vector.broadcast %jit3A_185 : f32 to vector<192x484xf32>
    %select_n3A_187 = arith.select %eq3A_184, %get3A_11, %broadcast_in_dim3A_186 : vector<192x484xi1>, vector<192x484xf32>
    %reduce_sum3A_188 = arith.constant dense<0.000000e+00> : vector<192xf32>
    %reduce_sum3A_189 = vector.multi_reduction <add>, %select_n3A_187, %reduce_sum3A_188 [1] : vector<192x484xf32> to vector<192xf32>
    %broadcast_in_dim3A_190 = vector.shape_cast %reduce_sum3A_189 : vector<192xf32> to vector<192x1xf32>
    %jit3A_191 = arith.constant 0.000000e+00 : f32
    %broadcast_in_dim3A_192 = vector.broadcast %jit3A_191 : f32 to vector<192x484xf32>
    %select_n3A_193 = arith.select %eq3A_184, %get3A_14, %broadcast_in_dim3A_192 : vector<192x484xi1>, vector<192x484xf32>
    %reduce_sum3A_194 = arith.constant dense<0.000000e+00> : vector<192xf32>
    %reduce_sum3A_195 = vector.multi_reduction <add>, %select_n3A_193, %reduce_sum3A_194 [1] : vector<192x484xf32> to vector<192xf32>
    %broadcast_in_dim3A_196 = vector.shape_cast %reduce_sum3A_195 : vector<192xf32> to vector<192x1xf32>
    %concatenate3A = tpu.concatenate %broadcast_in_dim3A_22, %broadcast_in_dim3A_43, %broadcast_in_dim3A_64, %broadcast_in_dim3A_85, %broadcast_in_dim3A_106, %broadcast_in_dim3A_127, %broadcast_in_dim3A_148, %broadcast_in_dim3A_169, %broadcast_in_dim3A_190 in 1 : vector<192x1xf32>, vector<192x1xf32>, vector<192x1xf32>, vector<192x1xf32>, vector<192x1xf32>, vector<192x1xf32>, vector<192x1xf32>, vector<192x1xf32>, vector<192x1xf32> -> vector<192x9xf32>
    %concatenate3A_197 = tpu.concatenate %broadcast_in_dim3A_28, %broadcast_in_dim3A_49, %broadcast_in_dim3A_70, %broadcast_in_dim3A_91, %broadcast_in_dim3A_112, %broadcast_in_dim3A_133, %broadcast_in_dim3A_154, %broadcast_in_dim3A_175, %broadcast_in_dim3A_196 in 1 : vector<192x1xf32>, vector<192x1xf32>, vector<192x1xf32>, vector<192x1xf32>, vector<192x1xf32>, vector<192x1xf32>, vector<192x1xf32>, vector<192x1xf32>, vector<192x1xf32> -> vector<192x9xf32>
    %get3A_198 = arith.constant 0 : index
    %get3A_199 = arith.constant 0 : index
    %get3A_200 = vector.load %arg4[%get3A_198, %get3A_199] : memref<192x8xf32, #tpu.memory_space<vmem>>, vector<192x1xf32>
    %get3A_201 = arith.constant 0 : index
    %get3A_202 = arith.constant 1 : index
    %get3A_203 = vector.load %arg4[%get3A_201, %get3A_202] : memref<192x8xf32, #tpu.memory_space<vmem>>, vector<192x1xf32>
    %div3A = arith.constant 1.474560e+05 : f32
    %div3A_204 = vector.broadcast %div3A : f32 to vector<192x1xf32>
    %div3A_205 = arith.divf %get3A_200, %div3A_204 : vector<192x1xf32>
    %mul3A_206 = arith.mulf %get3A_200, %get3A_200 : vector<192x1xf32>
    %div3A_207 = arith.constant 1.474560e+05 : f32
    %div3A_208 = vector.broadcast %div3A_207 : f32 to vector<192x1xf32>
    %div3A_209 = arith.divf %mul3A_206, %div3A_208 : vector<192x1xf32>
    %sub3A = arith.subf %get3A_203, %div3A_209 : vector<192x1xf32>
    %sub3A_210 = arith.constant 1.474560e+05 : f32
    %sub3A_211 = arith.constant 1.000000e+00 : f32
    %sub3A_212 = arith.subf %sub3A_210, %sub3A_211 : f32
    %div3A_213 = vector.broadcast %sub3A_212 : f32 to vector<192x1xf32>
    %div3A_214 = arith.divf %sub3A, %div3A_213 : vector<192x1xf32>
    %sqrt3A = math.sqrt %div3A_214 : vector<192x1xf32>
    %iota3A_215 = tpu.iota {dimensions = array<i32: 1>} : vector<192x9xi32>
    %eq3A_216 = vector.broadcast %get3A_4 : i32 to vector<192x9xi32>
    %eq3A_217 = arith.cmpi eq, %iota3A_215, %eq3A_216 : vector<192x9xi32>
    %broadcast_in_dim3A_218 = vector.shape_cast %div3A_205 : vector<192x1xf32> to vector<192x1xf32>
    %broadcast_in_dim3A_219 = vector.broadcast %broadcast_in_dim3A_218 : vector<192x1xf32> to vector<192x9xf32>
    %select_n3A_220 = arith.select %eq3A_217, %broadcast_in_dim3A_219, %concatenate3A : vector<192x9xi1>, vector<192x9xf32>
    %broadcast_in_dim3A_221 = vector.shape_cast %sqrt3A : vector<192x1xf32> to vector<192x1xf32>
    %broadcast_in_dim3A_222 = vector.broadcast %broadcast_in_dim3A_221 : vector<192x1xf32> to vector<192x9xf32>
    %select_n3A_223 = arith.select %eq3A_217, %broadcast_in_dim3A_222, %concatenate3A_197 : vector<192x9xi1>, vector<192x9xf32>
    %slice3A = vector.extract_strided_slice %select_n3A_220 {offsets = [0, 4], sizes = [192, 1], strides = [1, 1]} : vector<192x9xf32> to vector<192x1xf32>
    %slice3A_224 = vector.extract_strided_slice %select_n3A_223 {offsets = [0, 4], sizes = [192, 1], strides = [1, 1]} : vector<192x9xf32> to vector<192x1xf32>
    %eq3A_225 = arith.constant 0.000000e+00 : f32
    %eq3A_226 = vector.broadcast %eq3A_225 : f32 to vector<192x9xf32>
    %eq3A_227 = arith.cmpf oeq, %select_n3A_220, %eq3A_226 : vector<192x9xf32>
    %broadcast_in_dim3A_228 = vector.shape_cast %slice3A : vector<192x1xf32> to vector<192x1xf32>
    %broadcast_in_dim3A_229 = vector.broadcast %broadcast_in_dim3A_228 : vector<192x1xf32> to vector<192x9xf32>
    %select_n3A_230 = arith.select %eq3A_227, %broadcast_in_dim3A_229, %select_n3A_220 : vector<192x9xi1>, vector<192x9xf32>
    %eq3A_231 = arith.constant 0.000000e+00 : f32
    %eq3A_232 = vector.broadcast %eq3A_231 : f32 to vector<192x9xf32>
    %eq3A_233 = arith.cmpf oeq, %select_n3A_223, %eq3A_232 : vector<192x9xf32>
    %broadcast_in_dim3A_234 = vector.shape_cast %slice3A_224 : vector<192x1xf32> to vector<192x1xf32>
    %broadcast_in_dim3A_235 = vector.broadcast %broadcast_in_dim3A_234 : vector<192x1xf32> to vector<192x9xf32>
    %select_n3A_236 = arith.select %eq3A_233, %broadcast_in_dim3A_235, %select_n3A_223 : vector<192x9xi1>, vector<192x9xf32>
    %get3A_237 = arith.constant 0 : index
    %get3A_238 = arith.constant 0 : index
    %get3A_239 = vector.load %arg5[%get3A_237, %get3A_238] : memref<192x1xf32, #tpu.memory_space<vmem>>, vector<192x1xf32>
    %get3A_240 = arith.constant 0 : index
    %get3A_241 = arith.constant 0 : index
    %get3A_242 = vector.load %arg6[%get3A_240, %get3A_241] : memref<192x1xf32, #tpu.memory_space<vmem>>, vector<192x1xf32>
    %ne3A = arith.constant 0 : i32
    %ne3A_243 = arith.cmpi ne, %get3A_6, %ne3A : i32
    %jit3A_244 = arith.constant 0.000000e+00 : f32
    %broadcast_in_dim3A_245 = vector.broadcast %jit3A_244 : f32 to vector<192x9xf32>
    %select_n3A_246 = arith.select %ne3A_243, %select_n3A_230, %broadcast_in_dim3A_245 : vector<192x9xf32>
    %jit3A_247 = arith.constant 1.000000e+00 : f32
    %broadcast_in_dim3A_248 = vector.broadcast %jit3A_247 : f32 to vector<192x9xf32>
    %select_n3A_249 = arith.select %ne3A_243, %select_n3A_236, %broadcast_in_dim3A_248 : vector<192x9xf32>
    %jit3A_250 = arith.constant 1.000000e+00 : f32
    %broadcast_in_dim3A_251 = vector.broadcast %jit3A_250 : f32 to vector<192x1xf32>
    %select_n3A_252 = arith.select %ne3A_243, %get3A_239, %broadcast_in_dim3A_251 : vector<192x1xf32>
    %jit3A_253 = arith.constant 0.000000e+00 : f32
    %broadcast_in_dim3A_254 = vector.broadcast %jit3A_253 : f32 to vector<192x1xf32>
    %select_n3A_255 = arith.select %ne3A_243, %get3A_242, %broadcast_in_dim3A_254 : vector<192x1xf32>
    %ne3A_256 = arith.constant 0 : i32
    %ne3A_257 = arith.cmpi ne, %get3A_8, %ne3A_256 : i32
    %div3A_258 = arith.divf %get3A_239, %sqrt3A : vector<192x1xf32>
    %jit3A_259 = arith.constant 1.000000e+00 : f32
    %broadcast_in_dim3A_260 = vector.broadcast %jit3A_259 : f32 to vector<192x1xf32>
    %select_n3A_261 = arith.select %ne3A_257, %div3A_258, %broadcast_in_dim3A_260 : vector<192x1xf32>
    %div3A_262 = arith.divf %get3A_239, %sqrt3A : vector<192x1xf32>
    %mul3A_263 = arith.mulf %div3A_205, %div3A_262 : vector<192x1xf32>
    %sub3A_264 = arith.subf %get3A_242, %mul3A_263 : vector<192x1xf32>
    %jit3A_265 = arith.constant 0.000000e+00 : f32
    %broadcast_in_dim3A_266 = vector.broadcast %jit3A_265 : f32 to vector<192x1xf32>
    %select_n3A_267 = arith.select %ne3A_257, %sub3A_264, %broadcast_in_dim3A_266 : vector<192x1xf32>
    %broadcast_in_dim3A_268 = arith.constant 0.000000e+00 : f32
    %broadcast_in_dim3A_269 = vector.broadcast %broadcast_in_dim3A_268 : f32 to vector<192x10xf32>
    %concatenate3A_270 = tpu.concatenate %select_n3A_246, %select_n3A_249, %select_n3A_261, %select_n3A_267, %select_n3A_252, %select_n3A_255, %broadcast_in_dim3A_269 in 1 : vector<192x9xf32>, vector<192x9xf32>, vector<192x1xf32>, vector<192x1xf32>, vector<192x1xf32>, vector<192x1xf32>, vector<192x10xf32> -> vector<192x32xf32>
    %swap3A = arith.constant 0 : index
    %swap3A_271 = arith.constant 0 : index
    %swap3A_272 = vector.load %arg7[%swap3A, %swap3A_271] : memref<192x32xf32, #tpu.memory_space<vmem>>, vector<192x32xf32>
    tpu.vector_store %arg7[%swap3A, %swap3A_271], %concatenate3A_270 {strides = array<i32>} : memref<192x32xf32, #tpu.memory_space<vmem>>, vector<192x32xf32>,
    return
  }
  func.func @transform_0(%arg0: i32, %arg1: memref<5xi32, #tpu.memory_space<smem>>) -> (i32, i32) {
    %c0_i32 = arith.constant 0 : i32
    %c0_i32_0 = arith.constant 0 : i32
    %c0_i32_1 = arith.constant 0 : i32
    return %c0_i32, %c0_i32_0 : i32, i32
  }
  func.func @transform_1(%arg0: i32, %arg1: memref<5xi32, #tpu.memory_space<smem>>) -> (i32, i32) {
    %c0_i32 = arith.constant 0 : i32
    %c0_i32_0 = arith.constant 0 : i32
    %c0_i32_1 = arith.constant 0 : i32
    return %c0_i32, %c0_i32_0 : i32, i32
  }
  func.func @transform_2(%arg0: i32, %arg1: memref<5xi32, #tpu.memory_space<smem>>) -> (i32, i32) {
    %c0_i32 = arith.constant 0 : i32
    %c0_i32_0 = arith.constant 0 : i32
    %c0_i32_1 = arith.constant 0 : i32
    return %c0_i32, %c0_i32_0 : i32, i32
  }
  func.func @transform_3(%arg0: i32, %arg1: memref<5xi32, #tpu.memory_space<smem>>) -> (i32, i32) {
    %c0_i32 = arith.constant 0 : i32
    %c0_i32_0 = arith.constant 0 : i32
    %c0_i32_1 = arith.constant 0 : i32
    return %c0_i32, %c0_i32_0 : i32, i32
  }
  func.func @transform_4(%arg0: i32, %arg1: memref<5xi32, #tpu.memory_space<smem>>) -> (i32, i32) {
    %c0_i32 = arith.constant 0 : i32
    %c0_i32_0 = arith.constant 0 : i32
    %c0_i32_1 = arith.constant 0 : i32
    return %c0_i32, %c0_i32_0 : i32, i32
  }
  func.func @transform_5(%arg0: i32, %arg1: memref<5xi32, #tpu.memory_space<smem>>) -> (i32, i32) {
    %c0_i32 = arith.constant 0 : i32
    %c0_i32_0 = arith.constant 0 : i32
    %c0_i32_1 = arith.constant 0 : i32
    return %c0_i32, %c0_i32_0 : i32, i32
  }
}

module attributes {stable_mosaic.version = 14 : i64} {
  func.func @_norm_body(%arg0: i32, %arg1: i32, %arg2: memref<8x32xf32, #tpu.memory_space<vmem>>, %arg3: memref<1x8x384x384xf32, #tpu.memory_space<vmem>>, %arg4: memref<384x3xf32, #tpu.memory_space<vmem>>, %arg5: memref<3x384xf32, #tpu.memory_space<vmem>>, %arg6: memref<1x8x384x384xf32, #tpu.memory_space<vmem>>) attributes {dimension_semantics = [#tpu.dimension_semantics<arbitrary>, #tpu.dimension_semantics<arbitrary>], iteration_bounds = array<i64: 2, 24>, scalar_prefetch = 0 : i64, scratch_operands = 0 : i64, tpu.core_type = #tpu.core_type<tc>, window_params = [{transform_indices = @transform_0, window_bounds = array<i64: 8, 32>}, {transform_indices = @transform_1, window_bounds = array<i64: 1, 8, 384, 384>}, {pipeline_mode = #tpu.pipeline_mode<synchronous>, transform_indices = @transform_2, window_bounds = array<i64: 384, 3>}, {pipeline_mode = #tpu.pipeline_mode<synchronous>, transform_indices = @transform_3, window_bounds = array<i64: 3, 384>}, {transform_indices = @transform_4, window_bounds = array<i64: 1, 8, 384, 384>}]} {
    %eq3A = arith.constant 0 : i32
    %eq3A_0 = arith.cmpi eq, %arg0, %eq3A : i32
    %convert_element_type3A = arith.extui %eq3A_0 : i1 to i32
    %cond3A = arith.constant 0 : i32
    %cond3A_1 = arith.cmpi ne, %convert_element_type3A, %cond3A : i32
    scf.if %cond3A_1 {
      %get3A = arith.constant 0 : index
      %get3A_7 = arith.constant 0 : index
      %get3A_8 = arith.constant 0 : index
      %get3A_9 = arith.constant 0 : index
      %get3A_10 = vector.load %arg3[%get3A, %get3A_7, %get3A_8, %get3A_9] : memref<1x8x384x384xf32, #tpu.memory_space<vmem>>, vector<1x8x384x384xf32>
      %get3A_11 = arith.constant 0 : index
      %get3A_12 = arith.constant 0 : index
      %get3A_13 = vector.load %arg5[%get3A_11, %get3A_12] : memref<3x384xf32, #tpu.memory_space<vmem>>, vector<1x384xf32>
      %reshape3A = vector.shape_cast %get3A_13 : vector<1x384xf32> to vector<1x1x1x384xf32>
      %get3A_14 = arith.constant 0 : index
      %get3A_15 = arith.constant 0 : index
      %get3A_16 = vector.load %arg2[%get3A_14, %get3A_15] : memref<8x32xf32, #tpu.memory_space<vmem>>, vector<8x1xf32>
      %reshape3A_17 = vector.shape_cast %get3A_16 : vector<8x1xf32> to vector<1x8x1x1xf32>
      %get3A_18 = arith.constant 0 : index
      %get3A_19 = arith.constant 9 : index
      %get3A_20 = vector.load %arg2[%get3A_18, %get3A_19] : memref<8x32xf32, #tpu.memory_space<vmem>>, vector<8x1xf32>
      %reshape3A_21 = vector.shape_cast %get3A_20 : vector<8x1xf32> to vector<1x8x1x1xf32>
      %mul3A = vector.broadcast %reshape3A_17 : vector<1x8x1x1xf32> to vector<1x8x1x384xf32>
      %mul3A_22 = vector.broadcast %reshape3A : vector<1x1x1x384xf32> to vector<1x8x1x384xf32>
      %mul3A_23 = arith.mulf %mul3A, %mul3A_22 : vector<1x8x1x384xf32>
      %mul3A_24 = vector.broadcast %reshape3A_21 : vector<1x8x1x1xf32> to vector<1x8x1x384xf32>
      %mul3A_25 = vector.broadcast %reshape3A : vector<1x1x1x384xf32> to vector<1x8x1x384xf32>
      %mul3A_26 = arith.mulf %mul3A_24, %mul3A_25 : vector<1x8x1x384xf32>
      %get3A_27 = arith.constant 1 : index
      %get3A_28 = arith.constant 0 : index
      %get3A_29 = vector.load %arg5[%get3A_27, %get3A_28] : memref<3x384xf32, #tpu.memory_space<vmem>>, vector<1x384xf32>
      %reshape3A_30 = vector.shape_cast %get3A_29 : vector<1x384xf32> to vector<1x1x1x384xf32>
      %get3A_31 = arith.constant 0 : index
      %get3A_32 = arith.constant 1 : index
      %get3A_33 = vector.load %arg2[%get3A_31, %get3A_32] : memref<8x32xf32, #tpu.memory_space<vmem>>, vector<8x1xf32>
      %reshape3A_34 = vector.shape_cast %get3A_33 : vector<8x1xf32> to vector<1x8x1x1xf32>
      %get3A_35 = arith.constant 0 : index
      %get3A_36 = arith.constant 10 : index
      %get3A_37 = vector.load %arg2[%get3A_35, %get3A_36] : memref<8x32xf32, #tpu.memory_space<vmem>>, vector<8x1xf32>
      %reshape3A_38 = vector.shape_cast %get3A_37 : vector<8x1xf32> to vector<1x8x1x1xf32>
      %mul3A_39 = vector.broadcast %reshape3A_34 : vector<1x8x1x1xf32> to vector<1x8x1x384xf32>
      %mul3A_40 = vector.broadcast %reshape3A_30 : vector<1x1x1x384xf32> to vector<1x8x1x384xf32>
      %mul3A_41 = arith.mulf %mul3A_39, %mul3A_40 : vector<1x8x1x384xf32>
      %add3A = arith.addf %mul3A_23, %mul3A_41 : vector<1x8x1x384xf32>
      %mul3A_42 = vector.broadcast %reshape3A_38 : vector<1x8x1x1xf32> to vector<1x8x1x384xf32>
      %mul3A_43 = vector.broadcast %reshape3A_30 : vector<1x1x1x384xf32> to vector<1x8x1x384xf32>
      %mul3A_44 = arith.mulf %mul3A_42, %mul3A_43 : vector<1x8x1x384xf32>
      %add3A_45 = arith.addf %mul3A_26, %mul3A_44 : vector<1x8x1x384xf32>
      %get3A_46 = arith.constant 2 : index
      %get3A_47 = arith.constant 0 : index
      %get3A_48 = vector.load %arg5[%get3A_46, %get3A_47] : memref<3x384xf32, #tpu.memory_space<vmem>>, vector<1x384xf32>
      %reshape3A_49 = vector.shape_cast %get3A_48 : vector<1x384xf32> to vector<1x1x1x384xf32>
      %get3A_50 = arith.constant 0 : index
      %get3A_51 = arith.constant 2 : index
      %get3A_52 = vector.load %arg2[%get3A_50, %get3A_51] : memref<8x32xf32, #tpu.memory_space<vmem>>, vector<8x1xf32>
      %reshape3A_53 = vector.shape_cast %get3A_52 : vector<8x1xf32> to vector<1x8x1x1xf32>
      %get3A_54 = arith.constant 0 : index
      %get3A_55 = arith.constant 11 : index
      %get3A_56 = vector.load %arg2[%get3A_54, %get3A_55] : memref<8x32xf32, #tpu.memory_space<vmem>>, vector<8x1xf32>
      %reshape3A_57 = vector.shape_cast %get3A_56 : vector<8x1xf32> to vector<1x8x1x1xf32>
      %mul3A_58 = vector.broadcast %reshape3A_53 : vector<1x8x1x1xf32> to vector<1x8x1x384xf32>
      %mul3A_59 = vector.broadcast %reshape3A_49 : vector<1x1x1x384xf32> to vector<1x8x1x384xf32>
      %mul3A_60 = arith.mulf %mul3A_58, %mul3A_59 : vector<1x8x1x384xf32>
      %add3A_61 = arith.addf %add3A, %mul3A_60 : vector<1x8x1x384xf32>
      %mul3A_62 = vector.broadcast %reshape3A_57 : vector<1x8x1x1xf32> to vector<1x8x1x384xf32>
      %mul3A_63 = vector.broadcast %reshape3A_49 : vector<1x1x1x384xf32> to vector<1x8x1x384xf32>
      %mul3A_64 = arith.mulf %mul3A_62, %mul3A_63 : vector<1x8x1x384xf32>
      %add3A_65 = arith.addf %add3A_45, %mul3A_64 : vector<1x8x1x384xf32>
      %get3A_66 = arith.constant 0 : index
      %get3A_67 = arith.constant 0 : index
      %get3A_68 = vector.load %arg4[%get3A_66, %get3A_67] : memref<384x3xf32, #tpu.memory_space<vmem>>, vector<384x1xf32>
      %reshape3A_69 = vector.shape_cast %get3A_68 : vector<384x1xf32> to vector<1x1x384x1xf32>
      %mul3A_70 = vector.broadcast %reshape3A_69 : vector<1x1x384x1xf32> to vector<1x8x384x384xf32>
      %mul3A_71 = vector.broadcast %add3A_61 : vector<1x8x1x384xf32> to vector<1x8x384x384xf32>
      %mul3A_72 = arith.mulf %mul3A_70, %mul3A_71 : vector<1x8x384x384xf32>
      %mul3A_73 = vector.broadcast %reshape3A_69 : vector<1x1x384x1xf32> to vector<1x8x384x384xf32>
      %mul3A_74 = vector.broadcast %add3A_65 : vector<1x8x1x384xf32> to vector<1x8x384x384xf32>
      %mul3A_75 = arith.mulf %mul3A_73, %mul3A_74 : vector<1x8x384x384xf32>
      %get3A_76 = arith.constant 0 : index
      %get3A_77 = arith.constant 0 : index
      %get3A_78 = vector.load %arg5[%get3A_76, %get3A_77] : memref<3x384xf32, #tpu.memory_space<vmem>>, vector<1x384xf32>
      %reshape3A_79 = vector.shape_cast %get3A_78 : vector<1x384xf32> to vector<1x1x1x384xf32>
      %get3A_80 = arith.constant 0 : index
      %get3A_81 = arith.constant 3 : index
      %get3A_82 = vector.load %arg2[%get3A_80, %get3A_81] : memref<8x32xf32, #tpu.memory_space<vmem>>, vector<8x1xf32>
      %reshape3A_83 = vector.shape_cast %get3A_82 : vector<8x1xf32> to vector<1x8x1x1xf32>
      %get3A_84 = arith.constant 0 : index
      %get3A_85 = arith.constant 12 : index
      %get3A_86 = vector.load %arg2[%get3A_84, %get3A_85] : memref<8x32xf32, #tpu.memory_space<vmem>>, vector<8x1xf32>
      %reshape3A_87 = vector.shape_cast %get3A_86 : vector<8x1xf32> to vector<1x8x1x1xf32>
      %mul3A_88 = vector.broadcast %reshape3A_83 : vector<1x8x1x1xf32> to vector<1x8x1x384xf32>
      %mul3A_89 = vector.broadcast %reshape3A_79 : vector<1x1x1x384xf32> to vector<1x8x1x384xf32>
      %mul3A_90 = arith.mulf %mul3A_88, %mul3A_89 : vector<1x8x1x384xf32>
      %mul3A_91 = vector.broadcast %reshape3A_87 : vector<1x8x1x1xf32> to vector<1x8x1x384xf32>
      %mul3A_92 = vector.broadcast %reshape3A_79 : vector<1x1x1x384xf32> to vector<1x8x1x384xf32>
      %mul3A_93 = arith.mulf %mul3A_91, %mul3A_92 : vector<1x8x1x384xf32>
      %get3A_94 = arith.constant 1 : index
      %get3A_95 = arith.constant 0 : index
      %get3A_96 = vector.load %arg5[%get3A_94, %get3A_95] : memref<3x384xf32, #tpu.memory_space<vmem>>, vector<1x384xf32>
      %reshape3A_97 = vector.shape_cast %get3A_96 : vector<1x384xf32> to vector<1x1x1x384xf32>
      %get3A_98 = arith.constant 0 : index
      %get3A_99 = arith.constant 4 : index
      %get3A_100 = vector.load %arg2[%get3A_98, %get3A_99] : memref<8x32xf32, #tpu.memory_space<vmem>>, vector<8x1xf32>
      %reshape3A_101 = vector.shape_cast %get3A_100 : vector<8x1xf32> to vector<1x8x1x1xf32>
      %get3A_102 = arith.constant 0 : index
      %get3A_103 = arith.constant 13 : index
      %get3A_104 = vector.load %arg2[%get3A_102, %get3A_103] : memref<8x32xf32, #tpu.memory_space<vmem>>, vector<8x1xf32>
      %reshape3A_105 = vector.shape_cast %get3A_104 : vector<8x1xf32> to vector<1x8x1x1xf32>
      %mul3A_106 = vector.broadcast %reshape3A_101 : vector<1x8x1x1xf32> to vector<1x8x1x384xf32>
      %mul3A_107 = vector.broadcast %reshape3A_97 : vector<1x1x1x384xf32> to vector<1x8x1x384xf32>
      %mul3A_108 = arith.mulf %mul3A_106, %mul3A_107 : vector<1x8x1x384xf32>
      %add3A_109 = arith.addf %mul3A_90, %mul3A_108 : vector<1x8x1x384xf32>
      %mul3A_110 = vector.broadcast %reshape3A_105 : vector<1x8x1x1xf32> to vector<1x8x1x384xf32>
      %mul3A_111 = vector.broadcast %reshape3A_97 : vector<1x1x1x384xf32> to vector<1x8x1x384xf32>
      %mul3A_112 = arith.mulf %mul3A_110, %mul3A_111 : vector<1x8x1x384xf32>
      %add3A_113 = arith.addf %mul3A_93, %mul3A_112 : vector<1x8x1x384xf32>
      %get3A_114 = arith.constant 2 : index
      %get3A_115 = arith.constant 0 : index
      %get3A_116 = vector.load %arg5[%get3A_114, %get3A_115] : memref<3x384xf32, #tpu.memory_space<vmem>>, vector<1x384xf32>
      %reshape3A_117 = vector.shape_cast %get3A_116 : vector<1x384xf32> to vector<1x1x1x384xf32>
      %get3A_118 = arith.constant 0 : index
      %get3A_119 = arith.constant 5 : index
      %get3A_120 = vector.load %arg2[%get3A_118, %get3A_119] : memref<8x32xf32, #tpu.memory_space<vmem>>, vector<8x1xf32>
      %reshape3A_121 = vector.shape_cast %get3A_120 : vector<8x1xf32> to vector<1x8x1x1xf32>
      %get3A_122 = arith.constant 0 : index
      %get3A_123 = arith.constant 14 : index
      %get3A_124 = vector.load %arg2[%get3A_122, %get3A_123] : memref<8x32xf32, #tpu.memory_space<vmem>>, vector<8x1xf32>
      %reshape3A_125 = vector.shape_cast %get3A_124 : vector<8x1xf32> to vector<1x8x1x1xf32>
      %mul3A_126 = vector.broadcast %reshape3A_121 : vector<1x8x1x1xf32> to vector<1x8x1x384xf32>
      %mul3A_127 = vector.broadcast %reshape3A_117 : vector<1x1x1x384xf32> to vector<1x8x1x384xf32>
      %mul3A_128 = arith.mulf %mul3A_126, %mul3A_127 : vector<1x8x1x384xf32>
      %add3A_129 = arith.addf %add3A_109, %mul3A_128 : vector<1x8x1x384xf32>
      %mul3A_130 = vector.broadcast %reshape3A_125 : vector<1x8x1x1xf32> to vector<1x8x1x384xf32>
      %mul3A_131 = vector.broadcast %reshape3A_117 : vector<1x1x1x384xf32> to vector<1x8x1x384xf32>
      %mul3A_132 = arith.mulf %mul3A_130, %mul3A_131 : vector<1x8x1x384xf32>
      %add3A_133 = arith.addf %add3A_113, %mul3A_132 : vector<1x8x1x384xf32>
      %get3A_134 = arith.constant 0 : index
      %get3A_135 = arith.constant 1 : index
      %get3A_136 = vector.load %arg4[%get3A_134, %get3A_135] : memref<384x3xf32, #tpu.memory_space<vmem>>, vector<384x1xf32>
      %reshape3A_137 = vector.shape_cast %get3A_136 : vector<384x1xf32> to vector<1x1x384x1xf32>
      %mul3A_138 = vector.broadcast %reshape3A_137 : vector<1x1x384x1xf32> to vector<1x8x384x384xf32>
      %mul3A_139 = vector.broadcast %add3A_129 : vector<1x8x1x384xf32> to vector<1x8x384x384xf32>
      %mul3A_140 = arith.mulf %mul3A_138, %mul3A_139 : vector<1x8x384x384xf32>
      %add3A_141 = arith.addf %mul3A_72, %mul3A_140 : vector<1x8x384x384xf32>
      %mul3A_142 = vector.broadcast %reshape3A_137 : vector<1x1x384x1xf32> to vector<1x8x384x384xf32>
      %mul3A_143 = vector.broadcast %add3A_133 : vector<1x8x1x384xf32> to vector<1x8x384x384xf32>
      %mul3A_144 = arith.mulf %mul3A_142, %mul3A_143 : vector<1x8x384x384xf32>
      %add3A_145 = arith.addf %mul3A_75, %mul3A_144 : vector<1x8x384x384xf32>
      %get3A_146 = arith.constant 0 : index
      %get3A_147 = arith.constant 0 : index
      %get3A_148 = vector.load %arg5[%get3A_146, %get3A_147] : memref<3x384xf32, #tpu.memory_space<vmem>>, vector<1x384xf32>
      %reshape3A_149 = vector.shape_cast %get3A_148 : vector<1x384xf32> to vector<1x1x1x384xf32>
      %get3A_150 = arith.constant 0 : index
      %get3A_151 = arith.constant 6 : index
      %get3A_152 = vector.load %arg2[%get3A_150, %get3A_151] : memref<8x32xf32, #tpu.memory_space<vmem>>, vector<8x1xf32>
      %reshape3A_153 = vector.shape_cast %get3A_152 : vector<8x1xf32> to vector<1x8x1x1xf32>
      %get3A_154 = arith.constant 0 : index
      %get3A_155 = arith.constant 15 : index
      %get3A_156 = vector.load %arg2[%get3A_154, %get3A_155] : memref<8x32xf32, #tpu.memory_space<vmem>>, vector<8x1xf32>
      %reshape3A_157 = vector.shape_cast %get3A_156 : vector<8x1xf32> to vector<1x8x1x1xf32>
      %mul3A_158 = vector.broadcast %reshape3A_153 : vector<1x8x1x1xf32> to vector<1x8x1x384xf32>
      %mul3A_159 = vector.broadcast %reshape3A_149 : vector<1x1x1x384xf32> to vector<1x8x1x384xf32>
      %mul3A_160 = arith.mulf %mul3A_158, %mul3A_159 : vector<1x8x1x384xf32>
      %mul3A_161 = vector.broadcast %reshape3A_157 : vector<1x8x1x1xf32> to vector<1x8x1x384xf32>
      %mul3A_162 = vector.broadcast %reshape3A_149 : vector<1x1x1x384xf32> to vector<1x8x1x384xf32>
      %mul3A_163 = arith.mulf %mul3A_161, %mul3A_162 : vector<1x8x1x384xf32>
      %get3A_164 = arith.constant 1 : index
      %get3A_165 = arith.constant 0 : index
      %get3A_166 = vector.load %arg5[%get3A_164, %get3A_165] : memref<3x384xf32, #tpu.memory_space<vmem>>, vector<1x384xf32>
      %reshape3A_167 = vector.shape_cast %get3A_166 : vector<1x384xf32> to vector<1x1x1x384xf32>
      %get3A_168 = arith.constant 0 : index
      %get3A_169 = arith.constant 7 : index
      %get3A_170 = vector.load %arg2[%get3A_168, %get3A_169] : memref<8x32xf32, #tpu.memory_space<vmem>>, vector<8x1xf32>
      %reshape3A_171 = vector.shape_cast %get3A_170 : vector<8x1xf32> to vector<1x8x1x1xf32>
      %get3A_172 = arith.constant 0 : index
      %get3A_173 = arith.constant 16 : index
      %get3A_174 = vector.load %arg2[%get3A_172, %get3A_173] : memref<8x32xf32, #tpu.memory_space<vmem>>, vector<8x1xf32>
      %reshape3A_175 = vector.shape_cast %get3A_174 : vector<8x1xf32> to vector<1x8x1x1xf32>
      %mul3A_176 = vector.broadcast %reshape3A_171 : vector<1x8x1x1xf32> to vector<1x8x1x384xf32>
      %mul3A_177 = vector.broadcast %reshape3A_167 : vector<1x1x1x384xf32> to vector<1x8x1x384xf32>
      %mul3A_178 = arith.mulf %mul3A_176, %mul3A_177 : vector<1x8x1x384xf32>
      %add3A_179 = arith.addf %mul3A_160, %mul3A_178 : vector<1x8x1x384xf32>
      %mul3A_180 = vector.broadcast %reshape3A_175 : vector<1x8x1x1xf32> to vector<1x8x1x384xf32>
      %mul3A_181 = vector.broadcast %reshape3A_167 : vector<1x1x1x384xf32> to vector<1x8x1x384xf32>
      %mul3A_182 = arith.mulf %mul3A_180, %mul3A_181 : vector<1x8x1x384xf32>
      %add3A_183 = arith.addf %mul3A_163, %mul3A_182 : vector<1x8x1x384xf32>
      %get3A_184 = arith.constant 2 : index
      %get3A_185 = arith.constant 0 : index
      %get3A_186 = vector.load %arg5[%get3A_184, %get3A_185] : memref<3x384xf32, #tpu.memory_space<vmem>>, vector<1x384xf32>
      %reshape3A_187 = vector.shape_cast %get3A_186 : vector<1x384xf32> to vector<1x1x1x384xf32>
      %get3A_188 = arith.constant 0 : index
      %get3A_189 = arith.constant 8 : index
      %get3A_190 = vector.load %arg2[%get3A_188, %get3A_189] : memref<8x32xf32, #tpu.memory_space<vmem>>, vector<8x1xf32>
      %reshape3A_191 = vector.shape_cast %get3A_190 : vector<8x1xf32> to vector<1x8x1x1xf32>
      %get3A_192 = arith.constant 0 : index
      %get3A_193 = arith.constant 17 : index
      %get3A_194 = vector.load %arg2[%get3A_192, %get3A_193] : memref<8x32xf32, #tpu.memory_space<vmem>>, vector<8x1xf32>
      %reshape3A_195 = vector.shape_cast %get3A_194 : vector<8x1xf32> to vector<1x8x1x1xf32>
      %mul3A_196 = vector.broadcast %reshape3A_191 : vector<1x8x1x1xf32> to vector<1x8x1x384xf32>
      %mul3A_197 = vector.broadcast %reshape3A_187 : vector<1x1x1x384xf32> to vector<1x8x1x384xf32>
      %mul3A_198 = arith.mulf %mul3A_196, %mul3A_197 : vector<1x8x1x384xf32>
      %add3A_199 = arith.addf %add3A_179, %mul3A_198 : vector<1x8x1x384xf32>
      %mul3A_200 = vector.broadcast %reshape3A_195 : vector<1x8x1x1xf32> to vector<1x8x1x384xf32>
      %mul3A_201 = vector.broadcast %reshape3A_187 : vector<1x1x1x384xf32> to vector<1x8x1x384xf32>
      %mul3A_202 = arith.mulf %mul3A_200, %mul3A_201 : vector<1x8x1x384xf32>
      %add3A_203 = arith.addf %add3A_183, %mul3A_202 : vector<1x8x1x384xf32>
      %get3A_204 = arith.constant 0 : index
      %get3A_205 = arith.constant 2 : index
      %get3A_206 = vector.load %arg4[%get3A_204, %get3A_205] : memref<384x3xf32, #tpu.memory_space<vmem>>, vector<384x1xf32>
      %reshape3A_207 = vector.shape_cast %get3A_206 : vector<384x1xf32> to vector<1x1x384x1xf32>
      %mul3A_208 = vector.broadcast %reshape3A_207 : vector<1x1x384x1xf32> to vector<1x8x384x384xf32>
      %mul3A_209 = vector.broadcast %add3A_199 : vector<1x8x1x384xf32> to vector<1x8x384x384xf32>
      %mul3A_210 = arith.mulf %mul3A_208, %mul3A_209 : vector<1x8x384x384xf32>
      %add3A_211 = arith.addf %add3A_141, %mul3A_210 : vector<1x8x384x384xf32>
      %mul3A_212 = vector.broadcast %reshape3A_207 : vector<1x1x384x1xf32> to vector<1x8x384x384xf32>
      %mul3A_213 = vector.broadcast %add3A_203 : vector<1x8x1x384xf32> to vector<1x8x384x384xf32>
      %mul3A_214 = arith.mulf %mul3A_212, %mul3A_213 : vector<1x8x384x384xf32>
      %add3A_215 = arith.addf %add3A_145, %mul3A_214 : vector<1x8x384x384xf32>
      %get3A_216 = arith.constant 0 : index
      %get3A_217 = arith.constant 20 : index
      %get3A_218 = vector.load %arg2[%get3A_216, %get3A_217] : memref<8x32xf32, #tpu.memory_space<vmem>>, vector<8x1xf32>
      %reshape3A_219 = vector.shape_cast %get3A_218 : vector<8x1xf32> to vector<1x8x1x1xf32>
      %get3A_220 = arith.constant 0 : index
      %get3A_221 = arith.constant 21 : index
      %get3A_222 = vector.load %arg2[%get3A_220, %get3A_221] : memref<8x32xf32, #tpu.memory_space<vmem>>, vector<8x1xf32>
      %reshape3A_223 = vector.shape_cast %get3A_222 : vector<8x1xf32> to vector<1x8x1x1xf32>
      %sub3A = arith.subf %get3A_10, %add3A_211 : vector<1x8x384x384xf32>
      %div3A = arith.divf %sub3A, %add3A_215 : vector<1x8x384x384xf32>
      %mul3A_224 = vector.broadcast %reshape3A_219 : vector<1x8x1x1xf32> to vector<1x8x384x384xf32>
      %mul3A_225 = arith.mulf %div3A, %mul3A_224 : vector<1x8x384x384xf32>
      %add3A_226 = vector.broadcast %reshape3A_223 : vector<1x8x1x1xf32> to vector<1x8x384x384xf32>
      %add3A_227 = arith.addf %mul3A_225, %add3A_226 : vector<1x8x384x384xf32>
      %swap3A = arith.constant 0 : index
      %swap3A_228 = arith.constant 0 : index
      %swap3A_229 = arith.constant 0 : index
      %swap3A_230 = arith.constant 0 : index
      %swap3A_231 = vector.load %arg6[%swap3A, %swap3A_228, %swap3A_229, %swap3A_230] : memref<1x8x384x384xf32, #tpu.memory_space<vmem>>, vector<1x8x384x384xf32>
      tpu.vector_store %arg6[%swap3A, %swap3A_228, %swap3A_229, %swap3A_230], %add3A_227 {strides = array<i32>} : memref<1x8x384x384xf32, #tpu.memory_space<vmem>>, vector<1x8x384x384xf32>,
    } else {
    }
    %eq3A_2 = arith.constant 1 : i32
    %eq3A_3 = arith.cmpi eq, %arg0, %eq3A_2 : i32
    %convert_element_type3A_4 = arith.extui %eq3A_3 : i1 to i32
    %cond3A_5 = arith.constant 0 : i32
    %cond3A_6 = arith.cmpi ne, %convert_element_type3A_4, %cond3A_5 : i32
    scf.if %cond3A_6 {
      %get3A = arith.constant 0 : index
      %get3A_7 = arith.constant 0 : index
      %get3A_8 = arith.constant 0 : index
      %get3A_9 = arith.constant 0 : index
      %get3A_10 = vector.load %arg3[%get3A, %get3A_7, %get3A_8, %get3A_9] : memref<1x8x384x384xf32, #tpu.memory_space<vmem>>, vector<1x8x384x384xf32>
      %get3A_11 = arith.constant 0 : index
      %get3A_12 = arith.constant 18 : index
      %get3A_13 = vector.load %arg2[%get3A_11, %get3A_12] : memref<8x32xf32, #tpu.memory_space<vmem>>, vector<8x1xf32>
      %reshape3A = vector.shape_cast %get3A_13 : vector<8x1xf32> to vector<1x8x1x1xf32>
      %get3A_14 = arith.constant 0 : index
      %get3A_15 = arith.constant 19 : index
      %get3A_16 = vector.load %arg2[%get3A_14, %get3A_15] : memref<8x32xf32, #tpu.memory_space<vmem>>, vector<8x1xf32>
      %reshape3A_17 = vector.shape_cast %get3A_16 : vector<8x1xf32> to vector<1x8x1x1xf32>
      %mul3A = vector.broadcast %reshape3A : vector<1x8x1x1xf32> to vector<1x8x384x384xf32>
      %mul3A_18 = arith.mulf %get3A_10, %mul3A : vector<1x8x384x384xf32>
      %add3A = vector.broadcast %reshape3A_17 : vector<1x8x1x1xf32> to vector<1x8x384x384xf32>
      %add3A_19 = arith.addf %mul3A_18, %add3A : vector<1x8x384x384xf32>
      %swap3A = arith.constant 0 : index
      %swap3A_20 = arith.constant 0 : index
      %swap3A_21 = arith.constant 0 : index
      %swap3A_22 = arith.constant 0 : index
      %swap3A_23 = vector.load %arg6[%swap3A, %swap3A_20, %swap3A_21, %swap3A_22] : memref<1x8x384x384xf32, #tpu.memory_space<vmem>>, vector<1x8x384x384xf32>
      tpu.vector_store %arg6[%swap3A, %swap3A_20, %swap3A_21, %swap3A_22], %add3A_19 {strides = array<i32>} : memref<1x8x384x384xf32, #tpu.memory_space<vmem>>, vector<1x8x384x384xf32>,
    } else {
    }
    return
  }
  func.func @transform_0(%arg0: i32, %arg1: i32) -> (i32, i32) {
    %c0_i32 = arith.constant 0 : i32
    %c0_i32_0 = arith.constant 0 : i32
    return %arg1, %c0_i32 : i32, i32
  }
  func.func @transform_1(%arg0: i32, %arg1: i32) -> (i32, i32, i32, i32) {
    %c0_i32 = arith.constant 0 : i32
    %c0_i32_0 = arith.constant 0 : i32
    %c0_i32_1 = arith.constant 0 : i32
    return %arg0, %arg1, %c0_i32, %c0_i32_0 : i32, i32, i32, i32
  }
  func.func @transform_2(%arg0: i32, %arg1: i32) -> (i32, i32) {
    %c0_i32 = arith.constant 0 : i32
    %c0_i32_0 = arith.constant 0 : i32
    %c0_i32_1 = arith.constant 0 : i32
    return %c0_i32, %c0_i32_0 : i32, i32
  }
  func.func @transform_3(%arg0: i32, %arg1: i32) -> (i32, i32) {
    %c0_i32 = arith.constant 0 : i32
    %c0_i32_0 = arith.constant 0 : i32
    %c0_i32_1 = arith.constant 0 : i32
    return %c0_i32, %c0_i32_0 : i32, i32
  }
  func.func @transform_4(%arg0: i32, %arg1: i32) -> (i32, i32, i32, i32) {
    %c0_i32 = arith.constant 0 : i32
    %c0_i32_0 = arith.constant 0 : i32
    %c0_i32_1 = arith.constant 0 : i32
    return %arg0, %arg1, %c0_i32, %c0_i32_0 : i32, i32, i32, i32
  }
}

</mosaic_0001>

<sc_bundles>
// kernel: sparse-core-data-format-call.cloned.1.call-start
scs
called_computation_lowered:
.L_overlay_start_0:
0x0: {  	s2 =	sld [smem:$0x3FD9]  }
0x1: {  	s3 =	sld [smem:$0x3FFE];
	_ =	sdelay $0x1  }
0x2: {  	s1 =	srdreg.scid  }
0x3: {  	s0 =	sand.u32 $0x1, s1  }
0x4: {  	s18 =	sshll.u32 s0, $0xA;
	s2 =	sadd.s32 s3, s2  }
0x5: {  	s2 =	sadd.s32 s2, s18  }
0x6: {  	[smem:$0x3FBE] =	sst s2  }
0x7: {  	_ = 	snop  }
0x8: {  	s2 =	sld [smem:$0x3FD0];
	(tm) =	ssettm $0x1  }
0x9: {  	s19 =	sld [smem:$0x3FFB];
	_ =	sdelay $0x3  }
0xa: {  	_ =	strace s19  }
0xb: {  	s3 =	sld [smem:$0x3FFC];
	_ =	sdelay $0x3  }
0xc: {  	_ =	strace s3  }
0xd: {  	s3 =	sld [smem:$0x3FFD];
	_ =	sdelay $0x3  }
0xe: {  	_ =	strace s3  }
0xf: {  	_ =	strace $0x8FFFFFFF  }
0x10: {  	s20 =	sld [smem:$0x3FDB];
	_ =	sdelay $0x1  }
0x11: {  	s4 =	simm.s32 $_scs_section_size  }
0x12: {  	s5 =	simm.s32 $_size__tile_overlayer_lowered;
	s6 =	simm.s32 $_tile_overlayer_lowered  }
0x13: {  	s23 =	simm.s32 $0x1BFF;
	s22 =	sshll.u32 s6, $0x1;
	s3 =	sadd.s32 s4, s20  }
0x14: {  	s7 =	simm.s32 $0x0;
	s21 =	sshll.u32 s5, $0x1;
	s5 =	sadd.s32 s22, s3  }
0x15: {  	[timem:s7], [sflag:s23] =	dma.local [hbm:s5], s21  }
0x16: {  	_ =	swait.ge [sflag:s23], s21  }
0x17: {  	s4 =	ssub.s32 $0x0, s21;
	[sflag:s23] =	ssyncset.done $0x0  }
0x18: {  	[sflag:s23] =	ssyncadd.s32 s4;
	_ =	sdelay $0x1  }
0x19: {  	s24 =	simm.s32 $0x1B8B  }
0x1a: {  	_ =	swait.ge [sflag:s24], $0x1  }
0x1b: {  	[sflag:s24] =	ssyncset.done $0x0  }
0x1c: {  	s26 =	simm.s32 $0x1B8E;
	s25 =	sld [smem:$0x3FFE];
	[sflag:s24] =	ssyncadd.s32 $0xFFFFFFFF  }
0x1d: {  	s27 =	simm.s32 $execute0_lowered;
	[smem:$0x3FD2] =	sst s26  }
0x1e: {  	s5 =	sshll.u32 s27, $0x1;
	_ =	strace $0x80000046;
	[dreg:$0x1] =	wrdreg $0xFFFFFFFF  }
0x1f: {  	s28 =	simm.s32 $_size_execute0_lowered;
	s3 =	sadd.s32 s3, s5;
	[dreg:$0x0] =	wrdreg $0x0  }
0x20: {  	s5 =	sshll.u32 s28, $0x1;
	[dreg:$0x2] =	wrdreg s3  }
0x21: {  	[dreg:$0x3] =	wrdreg s5  }
0x22: {  	[dreg:$0x4] =	wrdreg $0xC0  }
0x23: {  	_ =	task [dreg:s7], $0x5FFFF  }
0x24: {  	[dreg:$0x1] =	wrdreg $0xFFFFFFFF  }
0x25: {  	[dreg:$0x0] =	wrdreg $0x60  }
0x26: {  	[dreg:$0x2] =	wrdreg s2  }
0x27: {  	[dreg:$0x3] =	wrdreg s25  }
0x28: {  	[dreg:$0x4] =	wrdreg $0x9  }
0x29: {  	_ =	task.clear_ibuf [dreg:s7], $0x5FFFF;
	_ =	strace $0x90000046  }
0x2a: {  	s29 =	simm.s32 $0x9;
	_ =	strace $0x80000048  }
0x2b: {  	_ =	swait.ge [sflag:s29], $0x1  }
0x2c: {  	[sflag:s29] =	ssyncadd.s32 $0xFFFFFFFF  }
0x2d: {  	_ =	strace $0x90000048  }
0x2e: {  	_ =	sfence  }
0x2f: {  	s30 =	sld [smem:$0x0];
	_ =	sdelay $0x2  }
0x30: {  	s31 =	sshll.u32 s1, $0xD;
	s1 =	sshrl.u32 s1, $0x2  }
0x31: {  	s3 =	sand.u32 $0x4000, s31;
	s1 =	sadd.s32 s1, s30  }
0x32: {  	s0 =	sor.u32 s3, s0;
	s1 =	sshll.u32 s1, $0x11  }
0x33: {  	s0 =	sor.u32 s1, s0  }
0x34: {  	s0 =	sadd.s32 $0x8F2B, s0  }
0x35: {  	[sflag:s0] =	ssyncadd.remote.s32 $0x1  }
0x36: {  	_ =	sfence.sel $0xFFFF  }
0x37: {  	[dreg:$0x0] =	wrdreg $0xFFFFFFFF;
	(pc) =	sbr.abs _section_cstart, $3  }
0x38: {  	[dreg:$0x1] =	wrdreg $0xFFFFFFFF  }
0x39: {  	_ =	task.clear_ibuf [dreg:s7], $0x2FFFF;
	_ =	strace $0x9FFFFFFF  }
0x3a: {  	(tm) =	ssettm $0x7FFFFFFF  }
0x3b: {  	_ =	shalt  }
tec
execute0_lowered:
.L_overlay_start_1:
0x0: {  	(tag) =	ssettag $0x1  }
0x1: {  	s2 =	rddreg [dreg:$0x0]  }
0x2: {  	s1 =	rddreg [dreg:$0x1]  }
0x3: {  	s0 =	rddreg [dreg:$0x2];
	s4 =	srdreg.scid  }
0x4: {  	_ =	strace $0x80000047;
	s7 =	simm.s32 $0x2;
	s15 =	simm.s32 $0x0  }
0x5: {  	p0 =	por $0x0, $0x0;
	s13 =	simm.s32 $0x0;
	s16 =	simm.s32 $0x0  }
0x6: {  	s14 =	simm.s32 $0x0;
	s9 =	simm.s32 $0x0;
	s10 =	simm.s32 $0x0  }
.Ltmp0:
0x7: {  	s3 =	sadd.s32 $0x600, s1;
	s4 =	sshll.u32 s4, $0x4;
	(pc) =	sbr.rel .LBB1_1-.Ltmp0, $4  }
0x8: {  	s1 =	stileid.u32;
	s5 =	sand.u32 $0x10, s4;
	s4 =	simm.s32 $0x1  }
0x9: {  	s8 =	simm.s32 $0x0;
	s6 =	sor.u32 s1, s5;
	[sflag:s4] =	ssyncpa.u1 $0x0  }
0xa: {  	s5 =	sand.u32 $0x3, s1;
	s6 =	sshrl.u32 s6, $0x2;
	[sflag:s7] =	ssyncpa.u1 $0x0  }
0xb: {  	s7 =	simm.s32 $0xC00;
	s12 =	smov.u32 s5;
	s11 =	smov.u32 s6  }
.LBB1_5:
0xc: {  	s17 =	sadd.s32 $0x80, s9  }
0xd: {  	s13 =	sadd.s32 $0x80, s10;
	s18 =	smov.u32 s10;
	p2 =	sgt.s32 s17, $0x17F  }
0xe: {  	s18 =	smov.u32 @p2 s13  }
0xf: {  	s19 =	smov.u32 s11;
	s13 =	sadd.s32 $0x8, s11;
	p3 =	sgt.s32 s18, $0x17F  }
0x10: {  	s19 =	smov.u32 @p3 s13  }
0x11: {  	s20 =	smov.u32 s12;
	s13 =	sadd.s32 $0x4, s12;
	p4 =	sgt.s32 s19, $0x7  }
0x12: {  	p1 =	slt.u32 s8, $0x2;
	s20 =	smov.u32 @p4 s13  }
0x13: {  	s8 =	sadd.s32 $0x1, s8;
	s17 =	simm.s32 @p2 $0x0;
	p2 =	sgt.s32 s20, $0x17  }
0x14: {  	s15 =	smov.u32 s9;
	s20 =	smov.u32 @p2 s5;
	p2 =	sne.s32 s8, $0x38  }
.Ltmp1:
0x15: {  	s16 =	smov.u32 s11;
	s21 =	simm.s32 @!p1 $0x2;
	(pc) =	sbr.rel @!p2 .LBB1_6-.Ltmp1, $4  }
0x16: {  	s14 =	smov.u32 s12;
	p0 =	por !p0, !p0;
	_ =	swait.ge @!p1 [sflag:s21], $0x4000  }
0x17: {  	[sflag:s21] =	ssyncset.done @!p1 $0x0;
	s9 =	smov.u32 s17;
	s18 =	simm.s32 @p3 $0x0  }
0x18: {  	[sflag:s21] =	ssyncadd.s32 @!p1 $0xFFFFC000;
	s19 =	smov.u32 @p4 s6;
	s13 =	smov.u32 s10  }
0x19: {  	s10 =	smov.u32 s18;
	s11 =	smov.u32 s19;
	s12 =	smov.u32 s20  }
.LBB1_1:
0x1a: {  	p1 =	sgt.u32 s8, $0x35  }
0x1b: {  	s17 =	sshrl.u32 @!p1 s10, $0x3  }
0x1c: {  	s18 =	sshll.u32 @!p1 s9, $0x3;
	s17 =	smul.u32 @!p1 $0xC00, s17  }
0x1d: {  	s19 =	sshll.u32 @!p1 s10, $0x7;
	s18 =	sand.u32 @!p1 $0xFFFFFC00, s18  }
0x1e: {  	s17 =	sadd.s32 @!p1 s17, s18;
	s18 =	sand.u32 @!p1 $0x380, s19  }
0x1f: {  	s19 =	sand.u32 @!p1 $0x7F, s9;
	s17 =	sor.u32 @!p1 s18, s17  }
0x20: {  	s18 =	sor.u32 @!p1 s19, s17;
	s17 =	smulhi.u32 @!p1 $0xAAAAAAAB, s17;
	_ =	sdelay $0x1  }
0x21: {  	s19 =	smulhi.u32 @!p1 $0xAAAAAAAB, s18;
	s17 =	sshrl.u32 @!p1 s17, $0x8  }
0x22: {  	s20 =	smulhi.u32 @!p1 $0xAAAAAB, s17  }
0x23: {  	s22 =	smul.u32 @!p1 $0x24000, s12  }
0x24: {  	s19 =	sshrl.u32 @!p1 s19, $0x8;
	s20 =	smul.u32 @!p1 $0x180, s20  }
0x25: {  	s21 =	sxor.u32 @!p1 $0xFFFFFFFF, s8;
	s19 =	smul.u32 @!p1 $0x180, s19  }
0x26: {  	s21 =	sshll.u32 @!p1 s21, $0xE;
	s17 =	ssub.s32 @!p1 s17, s20;
	s20 =	smul.u32 @!p1 $0x4800, s11  }
0x27: {  	s18 =	ssub.s32 @!p1 s18, s19;
	s19 =	sadd.s32 @!p1 s2, s22;
	s17 =	smul.u32 @!p1 $0x30, s17  }
0x28: {  	s21 =	sand.u32 @!p1 $0x4000, s21;
	s19 =	sadd.s32 @!p1 s20, s19;
	s20 =	sand.u32 @!p1 $0x7, s18  }
0x29: {  	s18 =	sshrl.u32 @!p1 s18, $0x3;
	s17 =	sadd.s32 @!p1 s17, s19;
	s19 =	sshll.u32 @!p1 s20, $0x12  }
0x2a: {  	s17 =	sadd.s32 @!p1 s18, s17;
	s18 =	sor.u32 @!p1 $0x400, s19;
	s19 =	simm.s32 @!p1 $0xC00  }
0x2b: {  	[tilespmem:s21], [sflag:$0x1] =	stream.strided.gather @!p1 [hbm4b:s17+s18], $0x4000, s19, s18, $0x38;
	[tilespmem:$0x10000] =	vst v63  }
0x2c: {  	p1 =	seq.s32 s8, $0x0  }
0x2d: {  	p2 =	seq.s32 @!p1 s8, $0x37  }
0x2e: {  	p1 =	por p1, p2  }
.Ltmp2:
0x2f: {  	_ = 	snop;
	(pc) =	sbr.rel @p1 .LBB1_5-.Ltmp2, $1  }
0x30: {  	_ =	sdelay $0x3  }
0x31: {  	s17 =	simm.s32 $0x1  }
0x32: {  	s17 =	simm.s32 @!p0 $0x0  }
0x33: {  	s17 =	sshll.u32 s17, $0xE  }
0x34: {  	s18 =	sor.u32 $0x40, s17  }
0x35: {  	v1 =	vmov s18;
	_ =	sdelay $0x1  }
0x36: {  	_ =	swait.ge [sflag:s4], $0x4000  }
0x37: {  	[sflag:s4] =	ssyncset.done $0x0  }
0x38: {  	s19 =	simm.s32 $0x0;
	[sflag:s4] =	ssyncadd.s32 $0xFFFFC000  }
0x39: {  	s17 =	sor.u32 $0x8070, s17;
	v6 =	vld.idx.msk [tilespmem:v1+s19+$0x30 ss:$0x1], $0xffff  }
0x3a: {  	v0 =	vmov s17;
	v8 =	vld.idx.msk [tilespmem:v1+s19+$0xFFFFFFC0 ss:$0x1], $0xffff  }
0x3b: {  	v7 =	vld.idx.msk [tilespmem:v1+s19+$0xFFFFFFD0 ss:$0x1], $0xffff  }
0x3c: {  	v5 =	vld.idx.msk [tilespmem:v1+s19+$0xFFFFFFE0 ss:$0x1], $0xffff  }
0x3d: {  	v4 =	vld.idx.msk [tilespmem:v1+s19+$0xFFFFFFF0 ss:$0x1], $0xffff  }
0x3e: {  	s31 =	sshll.u32 s8, $0xE;
	v2 =	vld.idx.msk [tilespmem:v1+s19+$0x0 ss:$0x1], $0xffff  }
0x3f: {  	s17 =	sand.u32 $0x4000, s31;
	v3 =	vld.idx.msk [tilespmem:v1+s19+$0x10 ss:$0x1], $0xffff;
	[tilespmem:v0+s19+$0x0 ss:$0x1] =	vst.idx.msk $0xffff, v6  }
0x40: {  	s20 =	simm.s32 $0x400;
	s18 =	simm.s32 $0x80;
	s17 =	sor.u32 $0x8000, s17;
	[tilespmem:v0+s19+$0xFFFFFF90 ss:$0x1] =	vst.idx.msk $0xffff, v8;
	v6 =	vld.idx.msk [tilespmem:v1+s19+$0x20 ss:$0x1], $0xffff  }
.LBB1_3:
0x41: {  	p1 =	sne.s32 s20, $0xFE00;
	v8 =	vld.idx.msk [tilespmem:v1+s18+$0x30 ss:$0x1], $0xffff;
	[tilespmem:v0+s19+$0xFFFFFFA0 ss:$0x1] =	vst.idx.msk $0xffff, v7  }
0x42: {  	v9 =	vld.idx.msk [tilespmem:v1+s18+$0xFFFFFFC0 ss:$0x1], $0xffff;
	[tilespmem:v0+s19+$0xFFFFFFB0 ss:$0x1] =	vst.idx.msk $0xffff, v5  }
0x43: {  	v7 =	vld.idx.msk [tilespmem:v1+s18+$0xFFFFFFD0 ss:$0x1], $0xffff;
	[tilespmem:v0+s19+$0xFFFFFFC0 ss:$0x1] =	vst.idx.msk $0xffff, v4  }
.Ltmp3:
0x44: {  	v5 =	vld.idx.msk [tilespmem:v1+s18+$0xFFFFFFE0 ss:$0x1], $0xffff;
	[tilespmem:v0+s19+$0xFFFFFFD0 ss:$0x1] =	vst.idx.msk $0xffff, v2;
	(pc) =	sbr.rel @p1 .LBB1_3-.Ltmp3, $4  }
0x45: {  	v4 =	vld.idx.msk [tilespmem:v1+s18+$0xFFFFFFF0 ss:$0x1], $0xffff;
	[tilespmem:v0+s19+$0xFFFFFFE0 ss:$0x1] =	vst.idx.msk $0xffff, v3  }
0x46: {  	v2 =	vld.idx.msk [tilespmem:v1+s18+$0x0 ss:$0x1], $0xffff;
	[tilespmem:v0+s19+$0xFFFFFFF0 ss:$0x1] =	vst.idx.msk $0xffff, v6;
	s19 =	smov.u32 s18  }
0x47: {  	v3 =	vld.idx.msk [tilespmem:v1+s19+$0x10 ss:$0x1], $0xffff;
	[tilespmem:v0+s19+$0x0 ss:$0x1] =	vst.idx.msk $0xffff, v8  }
0x48: {  	s18 =	sshra.s32 s20, $0x2;
	s20 =	sadd.s32 $0x200, s20;
	[tilespmem:v0+s19+$0xFFFFFF90 ss:$0x1] =	vst.idx.msk $0xffff, v9;
	v6 =	vld.idx.msk [tilespmem:v1+s19+$0x20 ss:$0x1], $0xffff  }
0x49: {  	_ =	sdelay $0x2  }
0x4a: {  	s20 =	sshrl.u32 s16, $0x3  }
0x4b: {  	s21 =	sshll.u32 s15, $0x3;
	[tilespmem:v0+s19+$0xFFFFFFA0 ss:$0x1] =	vst.idx.msk $0xffff, v7;
	s20 =	smul.u32 $0xC00, s20  }
0x4c: {  	s27 =	sshll.u32 s16, $0x7;
	v56 =	vld.idx.msk [tilespmem:v1+s18+$0x30 ss:$0x1], $0xffff;
	[tilespmem:v0+s19+$0xFFFFFFB0 ss:$0x1] =	vst.idx.msk $0xffff, v5;
	s21 =	sand.u32 $0xFFFFFC00, s21  }
0x4d: {  	v57 =	vld.idx.msk [tilespmem:v1+s18+$0xFFFFFFC0 ss:$0x1], $0xffff;
	s16 =	sand.u32 $0x380, s27;
	[tilespmem:v0+s19+$0xFFFFFFC0 ss:$0x1] =	vst.idx.msk $0xffff, v4;
	s20 =	sadd.s32 s20, s21  }
0x4e: {  	s28 =	sand.u32 $0x7F, s15;
	v58 =	vld.idx.msk [tilespmem:v1+s18+$0xFFFFFFD0 ss:$0x1], $0xffff;
	[tilespmem:v0+s19+$0xFFFFFFD0 ss:$0x1] =	vst.idx.msk $0xffff, v2;
	s16 =	sor.u32 s16, s20  }
0x4f: {  	v59 =	vld.idx.msk [tilespmem:v1+s18+$0xFFFFFFE0 ss:$0x1], $0xffff;
	[tilespmem:v0+s19+$0xFFFFFFE0 ss:$0x1] =	vst.idx.msk $0xffff, v3;
	s15 =	sor.u32 s28, s16;
	s16 =	smulhi.u32 $0xAAAAAAAB, s16  }
0x50: {  	v60 =	vld.idx.msk [tilespmem:v1+s18+$0xFFFFFFF0 ss:$0x1], $0xffff;
	[tilespmem:v0+s19+$0xFFFFFFF0 ss:$0x1] =	vst.idx.msk $0xffff, v6;
	s29 =	smulhi.u32 $0xAAAAAAAB, s15  }
0x51: {  	v61 =	vld.idx.msk [tilespmem:v1+s18+$0x0 ss:$0x1], $0xffff;
	s14 =	smul.u32 $0x24000, s14;
	[tilespmem:v0+s18+$0x0 ss:$0x1] =	vst.idx.msk $0xffff, v56  }
0x52: {  	v62 =	vld.idx.msk [tilespmem:v1+s18+$0x10 ss:$0x1], $0xffff;
	s13 =	smul.u32 $0x180, s13;
	[tilespmem:v0+s18+$0xFFFFFF90 ss:$0x1] =	vst.idx.msk $0xffff, v57;
	s16 =	sshrl.u32 s16, $0x8;
	s30 =	sshrl.u32 s29, $0x8  }
0x53: {  	v63 =	vld.idx.msk [tilespmem:v1+s18+$0x20 ss:$0x1], $0xffff;
	[tilespmem:v0+s18+$0xFFFFFFA0 ss:$0x1] =	vst.idx.msk $0xffff, v58;
	s16 =	sand.u32 $0x7, s16;
	s19 =	smul.u32 $0x180, s30  }
0x54: {  	[tilespmem:v0+s18+$0xFFFFFFB0 ss:$0x1] =	vst.idx.msk $0xffff, v59;
	s16 =	smul.u32 $0x30, s16  }
.Ltmp4:
0x55: {  	s14 =	sadd.s32 s3, s14;
	[tilespmem:v0+s18+$0xFFFFFFC0 ss:$0x1] =	vst.idx.msk $0xffff, v60;
	s15 =	ssub.s32 s15, s19;
	(pc) =	sbr.rel .LBB1_5-.Ltmp4, $4  }
0x56: {  	s13 =	sadd.s32 s13, s14;
	[tilespmem:v0+s18+$0xFFFFFFD0 ss:$0x1] =	vst.idx.msk $0xffff, v61;
	s31 =	sand.u32 $0x7, s15  }
0x57: {  	[tilespmem:v0+s18+$0xFFFFFFE0 ss:$0x1] =	vst.idx.msk $0xffff, v62;
	s13 =	sadd.s32 s16, s13;
	s15 =	sshrl.u32 s15, $0x3;
	s14 =	sshll.u32 s31, $0x12  }
0x58: {  	[tilespmem:v0+s18+$0xFFFFFFF0 ss:$0x1] =	vst.idx.msk $0xffff, v63;
	s13 =	sadd.s32 s15, s13;
	s14 =	sor.u32 $0x80, s14  }
0x59: {  	[hbm4b:s13+s14] =	stream.strided.scatter [tilespmem:s17], [sflag:$0x2], $0x4000, s7, s14, $0x38;
	[tilespmem:$0x10000] =	vst v63  }
.LBB1_6:
0x5a: {  	_ =	sfence.sel $0x180000  }
0x5b: {  	s2 =	simm.s32 $0x1;
	[bflag:$0x0] =	sbarrier.arrive $0xFFFF  }
0x5c: {  	s31 =	simm.s32 $0x2;
	[sflag:s2] =	ssyncpa.u1 $0x1  }
0x5d: {  	[sflag:s31] =	ssyncpa.u1 $0x1  }
0x5e: {  	p0 =	sne.s32 s1, $0x0;
	_ =	strace $0x90000047  }
0x5f: {  	s0 =	sadd.s32 @!p0 $0x100000, s0;
	[bflag:$0x2] =	sbarrier.arrive $0xFFFF  }
0x60: {  	[sflag:s0] =	ssyncadd.tile.s32 @!p0 $0x1;
	_ =	shalt  }
.Lfunc_end1:
_tile_overlayer_lowered:
.L_overlay_start_2:
0x61: {  	(tag) =	ssettag $0x2  }
0x62: {  	s0 =	rddreg [dreg:$0x0];
	s2 =	stileid.u32  }
0x63: {  	s1 =	rddreg [dreg:$0x1];
	p0 =	sne.s32 s2, $0x0  }
0x64: {  	s3 =	rddreg [dreg:$0x2];
	[bflag:$0x3] =	sbarrier.arrive $0xFFFF;
	s2 =	simm.s32 @!p0 $0x1C01  }
0x65: {  	[timem:s3], [sflag:s2] =	dma.local @!p0 [hbm:s0], s1  }
0x66: {  	s0 =	simm.s32 @!p0 $0x1  }
0x67: {  	_ =	swait.ge @!p0 [sflag:s0], s1  }
0x68: {  	s1 =	ssub.s32 @!p0 $0x0, s1;
	[sflag:s0] =	ssyncset.done @!p0 $0x0  }
0x69: {  	[sflag:s0] =	ssyncadd.s32 @!p0 s1  }
0x6a: {  	[bflag:$0x3] =	sbarrier.arrive $0xFFFF  }
0x6b: {  	_ =	shalt  }

</sc_bundles>
